<compile_context>
chip_gen: v7x
topology: tpu7x:2x2x1
jax: 0.10.2.dev20260603
libtpu: 0.0.44.dev20260713+nightly
codegen_flags: <defaults>
</compile_context>

<pallas_src>
import functools

import jax
import jax.numpy as jnp
from jax import lax
from jax.experimental import pallas as pl
from jax.experimental.pallas import tpu as pltpu
from jax.experimental.pallas import tpu_sc as plsc

NC = 2
NS = 16
L = 16


@functools.partial(jax.jit, static_argnames=("n_rows", "c"))
def _pack_bf16(x2d, *, n_rows, c):
    nw = NC * NS
    rpw = n_rows // nw
    ng = c // (2 * L)

    mesh = plsc.VectorSubcoreMesh(
        core_axis_name="c", subcore_axis_name="s", num_cores=NC,
        num_subcores=NS)

    @functools.partial(
        pl.kernel,
        mesh=mesh,
        compiler_params=pltpu.CompilerParams(use_tc_tiling_on_sc=False),
        out_type=jax.ShapeDtypeStruct((n_rows, c // 2), jnp.int32),
        scratch_types=[
            pltpu.VMEM((rpw, c), jnp.float32),
            pltpu.VMEM((rpw, c // 2), jnp.int32),
        ],
    )
    def run(x_hbm, out_hbm, inb, outb):
        wid = lax.axis_index("s") * NC + lax.axis_index("c")
        base = wid * rpw
        pltpu.sync_copy(x_hbm.at[pl.ds(base, rpw)], inb)

        one = jnp.full((L,), 1, jnp.int32)
        half = jnp.full((L,), 0x7FFF, jnp.int32)
        himask = jnp.full((L,), -65536, jnp.int32)

        def rnd(v):
            u = lax.bitcast_convert_type(v, jnp.int32)
            return u + half + (lax.shift_right_logical(u, 16) & one)

        @pl.loop(0, rpw, unroll=4)
        def _rows(rr):
            for g in range(ng):
                ra = rnd(inb[rr, pl.ds(g * L, L)])
                rb = rnd(inb[rr, pl.ds(c // 2 + g * L, L)])
                outb[rr, pl.ds(g * L, L)] = (
                    lax.shift_right_logical(ra, 16) | (rb & himask))

        pltpu.sync_copy(outb, out_hbm.at[pl.ds(base, rpw)])

    return run(x2d)


@functools.partial(jax.jit, static_argnames=("n_rows", "k", "c"))
def _pooled_gather(x_flat, gidx, *, n_rows, k, c):
    nw = NC * NS
    rpw = n_rows // nw
    gch = 128 // k
    nch = rpw // gch
    cv = c // L

    mesh = plsc.VectorSubcoreMesh(
        core_axis_name="c", subcore_axis_name="s", num_cores=NC,
        num_subcores=NS)

    ng = c // (2 * L)

    @functools.partial(
        pl.kernel,
        mesh=mesh,
        compiler_params=pltpu.CompilerParams(use_tc_tiling_on_sc=False),
        out_type=jax.ShapeDtypeStruct((n_rows * c,), jnp.float32),
        scratch_types=[
            pltpu.VMEM((rpw * k // 128, 128), jnp.int32),
            pltpu.VMEM((gch * k, c // 2), jnp.int32),
            pltpu.VMEM((gch * k, c // 2), jnp.int32),
            pltpu.VMEM((gch * k, c // 2), jnp.int32),
            pltpu.VMEM((gch * k, c // 2), jnp.int32),
            pltpu.VMEM((rpw * c,), jnp.float32),
            pltpu.SemaphoreType.DMA,
            pltpu.SemaphoreType.DMA,
            pltpu.SemaphoreType.DMA,
            pltpu.SemaphoreType.DMA,
        ],
    )
    def run(x_hbm, gidx_hbm, out_hbm, idx_v, gbuf0, gbuf1, gbuf2, gbuf3,
            obuf, sem0, sem1, sem2, sem3):
        wid = lax.axis_index("s") * NC + lax.axis_index("c")
        base = wid * rpw
        pltpu.sync_copy(
            gidx_hbm.at[pl.ds(wid * (rpw * k // 128), rpw * k // 128)], idx_v)

        himask = jnp.full((L,), -65536, jnp.int32)

        def issue(i, gbuf, sem):
            pltpu.async_copy(x_hbm.at[idx_v.at[i]], gbuf, sem)

        def drain(gbuf, sem):
            pltpu.make_async_copy(
                x_hbm.at[pl.ds(0, gch * k)], gbuf, sem).wait()

        def accumulate(i, gbuf):
            def acc_body(j, carry):
                new = list(carry)
                for r in range(gch):
                    for g in range(ng):
                        w = gbuf[r * k + j, pl.ds(g * L, L)]
                        ev = lax.bitcast_convert_type(
                            lax.shift_left(w, 16), jnp.float32)
                        od = lax.bitcast_convert_type(w & himask, jnp.float32)
                        new[(r * ng + g) * 2] += ev
                        new[(r * ng + g) * 2 + 1] += od
                return tuple(new)
            acc = lax.fori_loop(
                0, k, acc_body,
                tuple(jnp.zeros((L,), jnp.float32) for _ in range(gch * cv)),
                unroll=1)
            for r in range(gch):
                row_off = (i * gch + r) * c
                for g in range(ng):
                    obuf[pl.ds(row_off + g * L, L)] = (
                        acc[(r * ng + g) * 2] * (1.0 / k))
                    obuf[pl.ds(row_off + c // 2 + g * L, L)] = (
                        acc[(r * ng + g) * 2 + 1] * (1.0 / k))

        bufs = (gbuf0, gbuf1, gbuf2, gbuf3)
        sems = (sem0, sem1, sem2, sem3)
        nbuf = 4
        for b in range(nbuf - 1):
            issue(b, bufs[b], sems[b])

        @pl.loop(0, nch, step=nbuf)
        def _chunks(i):
            for b in range(nbuf):
                nxt = i + b + nbuf - 1

                @pl.when(nxt < nch)
                def _(b=b, nxt=nxt):
                    issue(nxt, bufs[(b + nbuf - 1) % nbuf],
                          sems[(b + nbuf - 1) % nbuf])

                drain(bufs[b], sems[b])
                accumulate(i + b, bufs[b])

        pltpu.sync_copy(obuf, out_hbm.at[pl.ds(base * c, rpw * c)])

    return run(x_flat, gidx)


def kernel(x, idx):
    b, n, c = x.shape
    k = idx.shape[-1]
    x_flat = _pack_bf16(x.reshape(b * n, c), n_rows=b * n, c=c)
    offs = (jnp.arange(b, dtype=jnp.int32) * n)[:, None, None]
    gidx = (idx.astype(jnp.int32) + offs).reshape(b * n * k // 128, 128)
    out = _pooled_gather(x_flat, gidx, n_rows=b * n, k=k, c=c)
    return out.reshape(b, n, c)

# --- scband reference (transcript-rebuilt; emitter-appended) ---
"""Pipeline reference for scband-gapooling-53334903882144 (READ-ONLY COPY).

The authoritative reference and input builder live on the scoring server;
editing this copy changes nothing except your own understanding.
"""

import jax, jax.numpy as jnp
import numpy as np


def setup_inputs(seed: int = 0) -> dict:
    key = jax.random.key(seed)
    k1, k2 = jax.random.split(key)
    B, N, C, K = 4, 4096, 128, 32
    x = jax.random.normal(k1, (B, N, C), dtype=jnp.float32)
    idx = jax.random.randint(k2, (B, N, K), 0, N, dtype=jnp.int64)
    return {"x": x, "idx": idx}


def reference(x, idx):
    # index_points: gathered[b, n, k, :] = x[b, idx[b, n, k], :]
    # (the torch version expands x to [B, N, N, C] and gathers along dim 2,
    #  which is mathematically identical to a per-batch row gather)
    gathered = jax.vmap(lambda xb, ib: jnp.take(xb, ib, axis=0))(x, idx)  # [B, N, K, C]
    pooled = gathered.mean(axis=2)  # [B, N, C]
    return pooled

if __name__ == "__main__":
    import jax
    _d = setup_inputs()
    print(jax.jit(kernel)(*tuple(_d.values())))

</pallas_src>

<mosaic_0001>
#map = affine_map<(d0, d1) -> (0, 0)>
module attributes {stable_mosaic.version = 14 : i64} {
  func.func @run(%arg0: i32, %arg1: i32, %arg2: memref<16384x128xf32, #tpu.memory_space<hbm>>, %arg3: memref<16384x64xi32, #tpu.memory_space<hbm>>, %arg4: memref<512x128xf32, #tpu.memory_space<vmem>>, %arg5: memref<512x64xi32, #tpu.memory_space<vmem>>) attributes {dimension_semantics = [#tpu.dimension_semantics<core_parallel>, #tpu.dimension_semantics<subcore_parallel>], iteration_bounds = array<i64: 2, 16>, scalar_prefetch = 0 : i64, scratch_operands = 2 : i64, tpu.core_type = #tpu.core_type<sc_vector_subcore>, window_params = [{transform_indices = #map}, {transform_indices = #map}]} {
    %mul3A = arith.constant 2 : i32
    %mul3A_0 = arith.muli %arg1, %mul3A : i32
    %add3A = arith.addi %mul3A_0, %arg0 : i32
    %mul3A_1 = arith.constant 512 : i32
    %mul3A_2 = arith.muli %add3A, %mul3A_1 : i32
    "tpu.region"() ({
      %run_scoped3A = tpu.sem_alloc : memref<!tpu.dma_semaphore, #tpu.memory_space<semaphore_mem>>
      %dma_start3A = arith.constant 0 : i32
      %dma_start3A_12 = tpu.memref_slice %arg2[%mul3A_2, %dma_start3A] : memref<16384x128xf32, #tpu.memory_space<hbm>> -> memref<512x128xf32, #tpu.memory_space<hbm>>
      %dma_start3A_13 = arith.constant 0 : i32
      %dma_start3A_14 = tpu.memref_slice %arg2[%mul3A_2, %dma_start3A_13] : memref<16384x128xf32, #tpu.memory_space<hbm>> -> memref<512x128xf32, #tpu.memory_space<hbm>>
      tpu.enqueue_dma source(%dma_start3A_14 : memref<512x128xf32, #tpu.memory_space<hbm>>) target(%arg4 : memref<512x128xf32, #tpu.memory_space<vmem>>) target_semaphore(%run_scoped3A : memref<!tpu.dma_semaphore, #tpu.memory_space<semaphore_mem>>)
      %dma_wait3A = arith.constant 0 : i32
      %dma_wait3A_15 = tpu.memref_slice %arg2[%mul3A_2, %dma_wait3A] : memref<16384x128xf32, #tpu.memory_space<hbm>> -> memref<512x128xf32, #tpu.memory_space<hbm>>
      %dma_wait3A_16 = arith.constant 0 : i32
      %dma_wait3A_17 = tpu.memref_slice %arg2[%mul3A_2, %dma_wait3A_16] : memref<16384x128xf32, #tpu.memory_space<hbm>> -> memref<512x128xf32, #tpu.memory_space<hbm>>
      tpu.wait_dma2 semaphore(%run_scoped3A : memref<!tpu.dma_semaphore, #tpu.memory_space<semaphore_mem>>) src(%dma_wait3A_17 : memref<512x128xf32, #tpu.memory_space<hbm>>) dst(%arg4 : memref<512x128xf32, #tpu.memory_space<vmem>>)
      tpu.yield
    }) : () -> ()
    %broadcast_in_dim3A = arith.constant 1 : i32
    %broadcast_in_dim3A_3 = vector.broadcast %broadcast_in_dim3A : i32 to vector<16xi32>
    %broadcast_in_dim3A_4 = arith.constant 32767 : i32
    %broadcast_in_dim3A_5 = vector.broadcast %broadcast_in_dim3A_4 : i32 to vector<16xi32>
    %broadcast_in_dim3A_6 = arith.constant -65536 : i32
    %broadcast_in_dim3A_7 = vector.broadcast %broadcast_in_dim3A_6 : i32 to vector<16xi32>
    %scan3A = arith.constant 0 : i32
    %scan3A_8 = arith.constant 512 : i32
    %scan3A_9 = arith.addi %scan3A, %scan3A_8 : i32
    %scan3A_10 = arith.constant 4 : i32
    scf.for %scan3A_12 = %scan3A to %scan3A_9 step %scan3A_10  : i32 {
      %mul3A_13 = arith.constant 1 : i32
      %mul3A_14 = arith.muli %scan3A_12, %mul3A_13 : i32
      %add3A_15 = arith.constant 0 : i32
      %add3A_16 = arith.addi %add3A_15, %mul3A_14 : i32
      %get3A = arith.index_cast %add3A_16 : i32 to index
      %get3A_17 = arith.constant 0 : index
      %get3A_18 = tpu.vector_load %arg4[%get3A, %get3A_17] {strides = array<i32>} : memref<512x128xf32, #tpu.memory_space<vmem>>, vector<1x16xf32>,
      %get3A_19 = vector.shape_cast %get3A_18 : vector<1x16xf32> to vector<16xf32>
      %bitcast_convert_type3A = tpu.bitcast %get3A_19 : vector<16xf32> -> vector<16xi32>
      %add3A_20 = arith.addi %bitcast_convert_type3A, %broadcast_in_dim3A_5 : vector<16xi32>
      %shift_right_logical3A = arith.constant 16 : i32
      %shift_right_logical3A_21 = vector.broadcast %shift_right_logical3A : i32 to vector<16xi32>
      %shift_right_logical3A_22 = arith.shrui %bitcast_convert_type3A, %shift_right_logical3A_21 : vector<16xi32>
      %and3A = arith.andi %shift_right_logical3A_22, %broadcast_in_dim3A_3 : vector<16xi32>
      %add3A_23 = arith.addi %add3A_20, %and3A : vector<16xi32>
      %get3A_24 = arith.index_cast %add3A_16 : i32 to index
      %get3A_25 = arith.constant 64 : index
      %get3A_26 = tpu.vector_load %arg4[%get3A_24, %get3A_25] {strides = array<i32>} : memref<512x128xf32, #tpu.memory_space<vmem>>, vector<1x16xf32>,
      %get3A_27 = vector.shape_cast %get3A_26 : vector<1x16xf32> to vector<16xf32>
      %bitcast_convert_type3A_28 = tpu.bitcast %get3A_27 : vector<16xf32> -> vector<16xi32>
      %add3A_29 = arith.addi %bitcast_convert_type3A_28, %broadcast_in_dim3A_5 : vector<16xi32>
      %shift_right_logical3A_30 = arith.constant 16 : i32
      %shift_right_logical3A_31 = vector.broadcast %shift_right_logical3A_30 : i32 to vector<16xi32>
      %shift_right_logical3A_32 = arith.shrui %bitcast_convert_type3A_28, %shift_right_logical3A_31 : vector<16xi32>
      %and3A_33 = arith.andi %shift_right_logical3A_32, %broadcast_in_dim3A_3 : vector<16xi32>
      %add3A_34 = arith.addi %add3A_29, %and3A_33 : vector<16xi32>
      %shift_right_logical3A_35 = arith.constant 16 : i32
      %shift_right_logical3A_36 = vector.broadcast %shift_right_logical3A_35 : i32 to vector<16xi32>
      %shift_right_logical3A_37 = arith.shrui %add3A_23, %shift_right_logical3A_36 : vector<16xi32>
      %and3A_38 = arith.andi %add3A_34, %broadcast_in_dim3A_7 : vector<16xi32>
      %or3A = arith.ori %shift_right_logical3A_37, %and3A_38 : vector<16xi32>
      %swap3A = arith.index_cast %add3A_16 : i32 to index
      %swap3A_39 = arith.constant 0 : index
      %swap3A_40 = tpu.vector_load %arg5[%swap3A, %swap3A_39] {strides = array<i32>} : memref<512x64xi32, #tpu.memory_space<vmem>>, vector<1x16xi32>,
      %swap3A_41 = vector.shape_cast %swap3A_40 : vector<1x16xi32> to vector<16xi32>
      %swap3A_42 = vector.shape_cast %or3A : vector<16xi32> to vector<1x16xi32>
      tpu.vector_store %arg5[%swap3A, %swap3A_39], %swap3A_42 {strides = array<i32>} : memref<512x64xi32, #tpu.memory_space<vmem>>, vector<1x16xi32>,
      %get3A_43 = arith.index_cast %add3A_16 : i32 to index
      %get3A_44 = arith.constant 16 : index
      %get3A_45 = tpu.vector_load %arg4[%get3A_43, %get3A_44] {strides = array<i32>} : memref<512x128xf32, #tpu.memory_space<vmem>>, vector<1x16xf32>,
      %get3A_46 = vector.shape_cast %get3A_45 : vector<1x16xf32> to vector<16xf32>
      %bitcast_convert_type3A_47 = tpu.bitcast %get3A_46 : vector<16xf32> -> vector<16xi32>
      %add3A_48 = arith.addi %bitcast_convert_type3A_47, %broadcast_in_dim3A_5 : vector<16xi32>
      %shift_right_logical3A_49 = arith.constant 16 : i32
      %shift_right_logical3A_50 = vector.broadcast %shift_right_logical3A_49 : i32 to vector<16xi32>
      %shift_right_logical3A_51 = arith.shrui %bitcast_convert_type3A_47, %shift_right_logical3A_50 : vector<16xi32>
      %and3A_52 = arith.andi %shift_right_logical3A_51, %broadcast_in_dim3A_3 : vector<16xi32>
      %add3A_53 = arith.addi %add3A_48, %and3A_52 : vector<16xi32>
      %get3A_54 = arith.index_cast %add3A_16 : i32 to index
      %get3A_55 = arith.constant 80 : index
      %get3A_56 = tpu.vector_load %arg4[%get3A_54, %get3A_55] {strides = array<i32>} : memref<512x128xf32, #tpu.memory_space<vmem>>, vector<1x16xf32>,
      %get3A_57 = vector.shape_cast %get3A_56 : vector<1x16xf32> to vector<16xf32>
      %bitcast_convert_type3A_58 = tpu.bitcast %get3A_57 : vector<16xf32> -> vector<16xi32>
      %add3A_59 = arith.addi %bitcast_convert_type3A_58, %broadcast_in_dim3A_5 : vector<16xi32>
      %shift_right_logical3A_60 = arith.constant 16 : i32
      %shift_right_logical3A_61 = vector.broadcast %shift_right_logical3A_60 : i32 to vector<16xi32>
      %shift_right_logical3A_62 = arith.shrui %bitcast_convert_type3A_58, %shift_right_logical3A_61 : vector<16xi32>
      %and3A_63 = arith.andi %shift_right_logical3A_62, %broadcast_in_dim3A_3 : vector<16xi32>
      %add3A_64 = arith.addi %add3A_59, %and3A_63 : vector<16xi32>
      %shift_right_logical3A_65 = arith.constant 16 : i32
      %shift_right_logical3A_66 = vector.broadcast %shift_right_logical3A_65 : i32 to vector<16xi32>
      %shift_right_logical3A_67 = arith.shrui %add3A_53, %shift_right_logical3A_66 : vector<16xi32>
      %and3A_68 = arith.andi %add3A_64, %broadcast_in_dim3A_7 : vector<16xi32>
      %or3A_69 = arith.ori %shift_right_logical3A_67, %and3A_68 : vector<16xi32>
      %swap3A_70 = arith.index_cast %add3A_16 : i32 to index
      %swap3A_71 = arith.constant 16 : index
      %swap3A_72 = tpu.vector_load %arg5[%swap3A_70, %swap3A_71] {strides = array<i32>} : memref<512x64xi32, #tpu.memory_space<vmem>>, vector<1x16xi32>,
      %swap3A_73 = vector.shape_cast %swap3A_72 : vector<1x16xi32> to vector<16xi32>
      %swap3A_74 = vector.shape_cast %or3A_69 : vector<16xi32> to vector<1x16xi32>
      tpu.vector_store %arg5[%swap3A_70, %swap3A_71], %swap3A_74 {strides = array<i32>} : memref<512x64xi32, #tpu.memory_space<vmem>>, vector<1x16xi32>,
      %get3A_75 = arith.index_cast %add3A_16 : i32 to index
      %get3A_76 = arith.constant 32 : index
      %get3A_77 = tpu.vector_load %arg4[%get3A_75, %get3A_76] {strides = array<i32>} : memref<512x128xf32, #tpu.memory_space<vmem>>, vector<1x16xf32>,
      %get3A_78 = vector.shape_cast %get3A_77 : vector<1x16xf32> to vector<16xf32>
      %bitcast_convert_type3A_79 = tpu.bitcast %get3A_78 : vector<16xf32> -> vector<16xi32>
      %add3A_80 = arith.addi %bitcast_convert_type3A_79, %broadcast_in_dim3A_5 : vector<16xi32>
      %shift_right_logical3A_81 = arith.constant 16 : i32
      %shift_right_logical3A_82 = vector.broadcast %shift_right_logical3A_81 : i32 to vector<16xi32>
      %shift_right_logical3A_83 = arith.shrui %bitcast_convert_type3A_79, %shift_right_logical3A_82 : vector<16xi32>
      %and3A_84 = arith.andi %shift_right_logical3A_83, %broadcast_in_dim3A_3 : vector<16xi32>
      %add3A_85 = arith.addi %add3A_80, %and3A_84 : vector<16xi32>
      %get3A_86 = arith.index_cast %add3A_16 : i32 to index
      %get3A_87 = arith.constant 96 : index
      %get3A_88 = tpu.vector_load %arg4[%get3A_86, %get3A_87] {strides = array<i32>} : memref<512x128xf32, #tpu.memory_space<vmem>>, vector<1x16xf32>,
      %get3A_89 = vector.shape_cast %get3A_88 : vector<1x16xf32> to vector<16xf32>
      %bitcast_convert_type3A_90 = tpu.bitcast %get3A_89 : vector<16xf32> -> vector<16xi32>
      %add3A_91 = arith.addi %bitcast_convert_type3A_90, %broadcast_in_dim3A_5 : vector<16xi32>
      %shift_right_logical3A_92 = arith.constant 16 : i32
      %shift_right_logical3A_93 = vector.broadcast %shift_right_logical3A_92 : i32 to vector<16xi32>
      %shift_right_logical3A_94 = arith.shrui %bitcast_convert_type3A_90, %shift_right_logical3A_93 : vector<16xi32>
      %and3A_95 = arith.andi %shift_right_logical3A_94, %broadcast_in_dim3A_3 : vector<16xi32>
      %add3A_96 = arith.addi %add3A_91, %and3A_95 : vector<16xi32>
      %shift_right_logical3A_97 = arith.constant 16 : i32
      %shift_right_logical3A_98 = vector.broadcast %shift_right_logical3A_97 : i32 to vector<16xi32>
      %shift_right_logical3A_99 = arith.shrui %add3A_85, %shift_right_logical3A_98 : vector<16xi32>
      %and3A_100 = arith.andi %add3A_96, %broadcast_in_dim3A_7 : vector<16xi32>
      %or3A_101 = arith.ori %shift_right_logical3A_99, %and3A_100 : vector<16xi32>
      %swap3A_102 = arith.index_cast %add3A_16 : i32 to index
      %swap3A_103 = arith.constant 32 : index
      %swap3A_104 = tpu.vector_load %arg5[%swap3A_102, %swap3A_103] {strides = array<i32>} : memref<512x64xi32, #tpu.memory_space<vmem>>, vector<1x16xi32>,
      %swap3A_105 = vector.shape_cast %swap3A_104 : vector<1x16xi32> to vector<16xi32>
      %swap3A_106 = vector.shape_cast %or3A_101 : vector<16xi32> to vector<1x16xi32>
      tpu.vector_store %arg5[%swap3A_102, %swap3A_103], %swap3A_106 {strides = array<i32>} : memref<512x64xi32, #tpu.memory_space<vmem>>, vector<1x16xi32>,
      %get3A_107 = arith.index_cast %add3A_16 : i32 to index
      %get3A_108 = arith.constant 48 : index
      %get3A_109 = tpu.vector_load %arg4[%get3A_107, %get3A_108] {strides = array<i32>} : memref<512x128xf32, #tpu.memory_space<vmem>>, vector<1x16xf32>,
      %get3A_110 = vector.shape_cast %get3A_109 : vector<1x16xf32> to vector<16xf32>
      %bitcast_convert_type3A_111 = tpu.bitcast %get3A_110 : vector<16xf32> -> vector<16xi32>
      %add3A_112 = arith.addi %bitcast_convert_type3A_111, %broadcast_in_dim3A_5 : vector<16xi32>
      %shift_right_logical3A_113 = arith.constant 16 : i32
      %shift_right_logical3A_114 = vector.broadcast %shift_right_logical3A_113 : i32 to vector<16xi32>
      %shift_right_logical3A_115 = arith.shrui %bitcast_convert_type3A_111, %shift_right_logical3A_114 : vector<16xi32>
      %and3A_116 = arith.andi %shift_right_logical3A_115, %broadcast_in_dim3A_3 : vector<16xi32>
      %add3A_117 = arith.addi %add3A_112, %and3A_116 : vector<16xi32>
      %get3A_118 = arith.index_cast %add3A_16 : i32 to index
      %get3A_119 = arith.constant 112 : index
      %get3A_120 = tpu.vector_load %arg4[%get3A_118, %get3A_119] {strides = array<i32>} : memref<512x128xf32, #tpu.memory_space<vmem>>, vector<1x16xf32>,
      %get3A_121 = vector.shape_cast %get3A_120 : vector<1x16xf32> to vector<16xf32>
      %bitcast_convert_type3A_122 = tpu.bitcast %get3A_121 : vector<16xf32> -> vector<16xi32>
      %add3A_123 = arith.addi %bitcast_convert_type3A_122, %broadcast_in_dim3A_5 : vector<16xi32>
      %shift_right_logical3A_124 = arith.constant 16 : i32
      %shift_right_logical3A_125 = vector.broadcast %shift_right_logical3A_124 : i32 to vector<16xi32>
      %shift_right_logical3A_126 = arith.shrui %bitcast_convert_type3A_122, %shift_right_logical3A_125 : vector<16xi32>
      %and3A_127 = arith.andi %shift_right_logical3A_126, %broadcast_in_dim3A_3 : vector<16xi32>
      %add3A_128 = arith.addi %add3A_123, %and3A_127 : vector<16xi32>
      %shift_right_logical3A_129 = arith.constant 16 : i32
      %shift_right_logical3A_130 = vector.broadcast %shift_right_logical3A_129 : i32 to vector<16xi32>
      %shift_right_logical3A_131 = arith.shrui %add3A_117, %shift_right_logical3A_130 : vector<16xi32>
      %and3A_132 = arith.andi %add3A_128, %broadcast_in_dim3A_7 : vector<16xi32>
      %or3A_133 = arith.ori %shift_right_logical3A_131, %and3A_132 : vector<16xi32>
      %swap3A_134 = arith.index_cast %add3A_16 : i32 to index
      %swap3A_135 = arith.constant 48 : index
      %swap3A_136 = tpu.vector_load %arg5[%swap3A_134, %swap3A_135] {strides = array<i32>} : memref<512x64xi32, #tpu.memory_space<vmem>>, vector<1x16xi32>,
      %swap3A_137 = vector.shape_cast %swap3A_136 : vector<1x16xi32> to vector<16xi32>
      %swap3A_138 = vector.shape_cast %or3A_133 : vector<16xi32> to vector<1x16xi32>
      tpu.vector_store %arg5[%swap3A_134, %swap3A_135], %swap3A_138 {strides = array<i32>} : memref<512x64xi32, #tpu.memory_space<vmem>>, vector<1x16xi32>,
      %scan3A_139 = arith.constant 1 : i32
      %scan3A_140 = arith.addi %scan3A_12, %scan3A_139 : i32
      %mul3A_141 = arith.constant 1 : i32
      %mul3A_142 = arith.muli %scan3A_140, %mul3A_141 : i32
      %add3A_143 = arith.constant 0 : i32
      %add3A_144 = arith.addi %add3A_143, %mul3A_142 : i32
      %get3A_145 = arith.index_cast %add3A_144 : i32 to index
      %get3A_146 = arith.constant 0 : index
      %get3A_147 = tpu.vector_load %arg4[%get3A_145, %get3A_146] {strides = array<i32>} : memref<512x128xf32, #tpu.memory_space<vmem>>, vector<1x16xf32>,
      %get3A_148 = vector.shape_cast %get3A_147 : vector<1x16xf32> to vector<16xf32>
      %bitcast_convert_type3A_149 = tpu.bitcast %get3A_148 : vector<16xf32> -> vector<16xi32>
      %add3A_150 = arith.addi %bitcast_convert_type3A_149, %broadcast_in_dim3A_5 : vector<16xi32>
      %shift_right_logical3A_151 = arith.constant 16 : i32
      %shift_right_logical3A_152 = vector.broadcast %shift_right_logical3A_151 : i32 to vector<16xi32>
      %shift_right_logical3A_153 = arith.shrui %bitcast_convert_type3A_149, %shift_right_logical3A_152 : vector<16xi32>
      %and3A_154 = arith.andi %shift_right_logical3A_153, %broadcast_in_dim3A_3 : vector<16xi32>
      %add3A_155 = arith.addi %add3A_150, %and3A_154 : vector<16xi32>
      %get3A_156 = arith.index_cast %add3A_144 : i32 to index
      %get3A_157 = arith.constant 64 : index
      %get3A_158 = tpu.vector_load %arg4[%get3A_156, %get3A_157] {strides = array<i32>} : memref<512x128xf32, #tpu.memory_space<vmem>>, vector<1x16xf32>,
      %get3A_159 = vector.shape_cast %get3A_158 : vector<1x16xf32> to vector<16xf32>
      %bitcast_convert_type3A_160 = tpu.bitcast %get3A_159 : vector<16xf32> -> vector<16xi32>
      %add3A_161 = arith.addi %bitcast_convert_type3A_160, %broadcast_in_dim3A_5 : vector<16xi32>
      %shift_right_logical3A_162 = arith.constant 16 : i32
      %shift_right_logical3A_163 = vector.broadcast %shift_right_logical3A_162 : i32 to vector<16xi32>
      %shift_right_logical3A_164 = arith.shrui %bitcast_convert_type3A_160, %shift_right_logical3A_163 : vector<16xi32>
      %and3A_165 = arith.andi %shift_right_logical3A_164, %broadcast_in_dim3A_3 : vector<16xi32>
      %add3A_166 = arith.addi %add3A_161, %and3A_165 : vector<16xi32>
      %shift_right_logical3A_167 = arith.constant 16 : i32
      %shift_right_logical3A_168 = vector.broadcast %shift_right_logical3A_167 : i32 to vector<16xi32>
      %shift_right_logical3A_169 = arith.shrui %add3A_155, %shift_right_logical3A_168 : vector<16xi32>
      %and3A_170 = arith.andi %add3A_166, %broadcast_in_dim3A_7 : vector<16xi32>
      %or3A_171 = arith.ori %shift_right_logical3A_169, %and3A_170 : vector<16xi32>
      %swap3A_172 = arith.index_cast %add3A_144 : i32 to index
      %swap3A_173 = arith.constant 0 : index
      %swap3A_174 = tpu.vector_load %arg5[%swap3A_172, %swap3A_173] {strides = array<i32>} : memref<512x64xi32, #tpu.memory_space<vmem>>, vector<1x16xi32>,
      %swap3A_175 = vector.shape_cast %swap3A_174 : vector<1x16xi32> to vector<16xi32>
      %swap3A_176 = vector.shape_cast %or3A_171 : vector<16xi32> to vector<1x16xi32>
      tpu.vector_store %arg5[%swap3A_172, %swap3A_173], %swap3A_176 {strides = array<i32>} : memref<512x64xi32, #tpu.memory_space<vmem>>, vector<1x16xi32>,
      %get3A_177 = arith.index_cast %add3A_144 : i32 to index
      %get3A_178 = arith.constant 16 : index
      %get3A_179 = tpu.vector_load %arg4[%get3A_177, %get3A_178] {strides = array<i32>} : memref<512x128xf32, #tpu.memory_space<vmem>>, vector<1x16xf32>,
      %get3A_180 = vector.shape_cast %get3A_179 : vector<1x16xf32> to vector<16xf32>
      %bitcast_convert_type3A_181 = tpu.bitcast %get3A_180 : vector<16xf32> -> vector<16xi32>
      %add3A_182 = arith.addi %bitcast_convert_type3A_181, %broadcast_in_dim3A_5 : vector<16xi32>
      %shift_right_logical3A_183 = arith.constant 16 : i32
      %shift_right_logical3A_184 = vector.broadcast %shift_right_logical3A_183 : i32 to vector<16xi32>
      %shift_right_logical3A_185 = arith.shrui %bitcast_convert_type3A_181, %shift_right_logical3A_184 : vector<16xi32>
      %and3A_186 = arith.andi %shift_right_logical3A_185, %broadcast_in_dim3A_3 : vector<16xi32>
      %add3A_187 = arith.addi %add3A_182, %and3A_186 : vector<16xi32>
      %get3A_188 = arith.index_cast %add3A_144 : i32 to index
      %get3A_189 = arith.constant 80 : index
      %get3A_190 = tpu.vector_load %arg4[%get3A_188, %get3A_189] {strides = array<i32>} : memref<512x128xf32, #tpu.memory_space<vmem>>, vector<1x16xf32>,
      %get3A_191 = vector.shape_cast %get3A_190 : vector<1x16xf32> to vector<16xf32>
      %bitcast_convert_type3A_192 = tpu.bitcast %get3A_191 : vector<16xf32> -> vector<16xi32>
      %add3A_193 = arith.addi %bitcast_convert_type3A_192, %broadcast_in_dim3A_5 : vector<16xi32>
      %shift_right_logical3A_194 = arith.constant 16 : i32
      %shift_right_logical3A_195 = vector.broadcast %shift_right_logical3A_194 : i32 to vector<16xi32>
      %shift_right_logical3A_196 = arith.shrui %bitcast_convert_type3A_192, %shift_right_logical3A_195 : vector<16xi32>
      %and3A_197 = arith.andi %shift_right_logical3A_196, %broadcast_in_dim3A_3 : vector<16xi32>
      %add3A_198 = arith.addi %add3A_193, %and3A_197 : vector<16xi32>
      %shift_right_logical3A_199 = arith.constant 16 : i32
      %shift_right_logical3A_200 = vector.broadcast %shift_right_logical3A_199 : i32 to vector<16xi32>
      %shift_right_logical3A_201 = arith.shrui %add3A_187, %shift_right_logical3A_200 : vector<16xi32>
      %and3A_202 = arith.andi %add3A_198, %broadcast_in_dim3A_7 : vector<16xi32>
      %or3A_203 = arith.ori %shift_right_logical3A_201, %and3A_202 : vector<16xi32>
      %swap3A_204 = arith.index_cast %add3A_144 : i32 to index
      %swap3A_205 = arith.constant 16 : index
      %swap3A_206 = tpu.vector_load %arg5[%swap3A_204, %swap3A_205] {strides = array<i32>} : memref<512x64xi32, #tpu.memory_space<vmem>>, vector<1x16xi32>,
      %swap3A_207 = vector.shape_cast %swap3A_206 : vector<1x16xi32> to vector<16xi32>
      %swap3A_208 = vector.shape_cast %or3A_203 : vector<16xi32> to vector<1x16xi32>
      tpu.vector_store %arg5[%swap3A_204, %swap3A_205], %swap3A_208 {strides = array<i32>} : memref<512x64xi32, #tpu.memory_space<vmem>>, vector<1x16xi32>,
      %get3A_209 = arith.index_cast %add3A_144 : i32 to index
      %get3A_210 = arith.constant 32 : index
      %get3A_211 = tpu.vector_load %arg4[%get3A_209, %get3A_210] {strides = array<i32>} : memref<512x128xf32, #tpu.memory_space<vmem>>, vector<1x16xf32>,
      %get3A_212 = vector.shape_cast %get3A_211 : vector<1x16xf32> to vector<16xf32>
      %bitcast_convert_type3A_213 = tpu.bitcast %get3A_212 : vector<16xf32> -> vector<16xi32>
      %add3A_214 = arith.addi %bitcast_convert_type3A_213, %broadcast_in_dim3A_5 : vector<16xi32>
      %shift_right_logical3A_215 = arith.constant 16 : i32
      %shift_right_logical3A_216 = vector.broadcast %shift_right_logical3A_215 : i32 to vector<16xi32>
      %shift_right_logical3A_217 = arith.shrui %bitcast_convert_type3A_213, %shift_right_logical3A_216 : vector<16xi32>
      %and3A_218 = arith.andi %shift_right_logical3A_217, %broadcast_in_dim3A_3 : vector<16xi32>
      %add3A_219 = arith.addi %add3A_214, %and3A_218 : vector<16xi32>
      %get3A_220 = arith.index_cast %add3A_144 : i32 to index
      %get3A_221 = arith.constant 96 : index
      %get3A_222 = tpu.vector_load %arg4[%get3A_220, %get3A_221] {strides = array<i32>} : memref<512x128xf32, #tpu.memory_space<vmem>>, vector<1x16xf32>,
      %get3A_223 = vector.shape_cast %get3A_222 : vector<1x16xf32> to vector<16xf32>
      %bitcast_convert_type3A_224 = tpu.bitcast %get3A_223 : vector<16xf32> -> vector<16xi32>
      %add3A_225 = arith.addi %bitcast_convert_type3A_224, %broadcast_in_dim3A_5 : vector<16xi32>
      %shift_right_logical3A_226 = arith.constant 16 : i32
      %shift_right_logical3A_227 = vector.broadcast %shift_right_logical3A_226 : i32 to vector<16xi32>
      %shift_right_logical3A_228 = arith.shrui %bitcast_convert_type3A_224, %shift_right_logical3A_227 : vector<16xi32>
      %and3A_229 = arith.andi %shift_right_logical3A_228, %broadcast_in_dim3A_3 : vector<16xi32>
      %add3A_230 = arith.addi %add3A_225, %and3A_229 : vector<16xi32>
      %shift_right_logical3A_231 = arith.constant 16 : i32
      %shift_right_logical3A_232 = vector.broadcast %shift_right_logical3A_231 : i32 to vector<16xi32>
      %shift_right_logical3A_233 = arith.shrui %add3A_219, %shift_right_logical3A_232 : vector<16xi32>
      %and3A_234 = arith.andi %add3A_230, %broadcast_in_dim3A_7 : vector<16xi32>
      %or3A_235 = arith.ori %shift_right_logical3A_233, %and3A_234 : vector<16xi32>
      %swap3A_236 = arith.index_cast %add3A_144 : i32 to index
      %swap3A_237 = arith.constant 32 : index
      %swap3A_238 = tpu.vector_load %arg5[%swap3A_236, %swap3A_237] {strides = array<i32>} : memref<512x64xi32, #tpu.memory_space<vmem>>, vector<1x16xi32>,
      %swap3A_239 = vector.shape_cast %swap3A_238 : vector<1x16xi32> to vector<16xi32>
      %swap3A_240 = vector.shape_cast %or3A_235 : vector<16xi32> to vector<1x16xi32>
      tpu.vector_store %arg5[%swap3A_236, %swap3A_237], %swap3A_240 {strides = array<i32>} : memref<512x64xi32, #tpu.memory_space<vmem>>, vector<1x16xi32>,
      %get3A_241 = arith.index_cast %add3A_144 : i32 to index
      %get3A_242 = arith.constant 48 : index
      %get3A_243 = tpu.vector_load %arg4[%get3A_241, %get3A_242] {strides = array<i32>} : memref<512x128xf32, #tpu.memory_space<vmem>>, vector<1x16xf32>,
      %get3A_244 = vector.shape_cast %get3A_243 : vector<1x16xf32> to vector<16xf32>
      %bitcast_convert_type3A_245 = tpu.bitcast %get3A_244 : vector<16xf32> -> vector<16xi32>
      %add3A_246 = arith.addi %bitcast_convert_type3A_245, %broadcast_in_dim3A_5 : vector<16xi32>
      %shift_right_logical3A_247 = arith.constant 16 : i32
      %shift_right_logical3A_248 = vector.broadcast %shift_right_logical3A_247 : i32 to vector<16xi32>
      %shift_right_logical3A_249 = arith.shrui %bitcast_convert_type3A_245, %shift_right_logical3A_248 : vector<16xi32>
      %and3A_250 = arith.andi %shift_right_logical3A_249, %broadcast_in_dim3A_3 : vector<16xi32>
      %add3A_251 = arith.addi %add3A_246, %and3A_250 : vector<16xi32>
      %get3A_252 = arith.index_cast %add3A_144 : i32 to index
      %get3A_253 = arith.constant 112 : index
      %get3A_254 = tpu.vector_load %arg4[%get3A_252, %get3A_253] {strides = array<i32>} : memref<512x128xf32, #tpu.memory_space<vmem>>, vector<1x16xf32>,
      %get3A_255 = vector.shape_cast %get3A_254 : vector<1x16xf32> to vector<16xf32>
      %bitcast_convert_type3A_256 = tpu.bitcast %get3A_255 : vector<16xf32> -> vector<16xi32>
      %add3A_257 = arith.addi %bitcast_convert_type3A_256, %broadcast_in_dim3A_5 : vector<16xi32>
      %shift_right_logical3A_258 = arith.constant 16 : i32
      %shift_right_logical3A_259 = vector.broadcast %shift_right_logical3A_258 : i32 to vector<16xi32>
      %shift_right_logical3A_260 = arith.shrui %bitcast_convert_type3A_256, %shift_right_logical3A_259 : vector<16xi32>
      %and3A_261 = arith.andi %shift_right_logical3A_260, %broadcast_in_dim3A_3 : vector<16xi32>
      %add3A_262 = arith.addi %add3A_257, %and3A_261 : vector<16xi32>
      %shift_right_logical3A_263 = arith.constant 16 : i32
      %shift_right_logical3A_264 = vector.broadcast %shift_right_logical3A_263 : i32 to vector<16xi32>
      %shift_right_logical3A_265 = arith.shrui %add3A_251, %shift_right_logical3A_264 : vector<16xi32>
      %and3A_266 = arith.andi %add3A_262, %broadcast_in_dim3A_7 : vector<16xi32>
      %or3A_267 = arith.ori %shift_right_logical3A_265, %and3A_266 : vector<16xi32>
      %swap3A_268 = arith.index_cast %add3A_144 : i32 to index
      %swap3A_269 = arith.constant 48 : index
      %swap3A_270 = tpu.vector_load %arg5[%swap3A_268, %swap3A_269] {strides = array<i32>} : memref<512x64xi32, #tpu.memory_space<vmem>>, vector<1x16xi32>,
      %swap3A_271 = vector.shape_cast %swap3A_270 : vector<1x16xi32> to vector<16xi32>
      %swap3A_272 = vector.shape_cast %or3A_267 : vector<16xi32> to vector<1x16xi32>
      tpu.vector_store %arg5[%swap3A_268, %swap3A_269], %swap3A_272 {strides = array<i32>} : memref<512x64xi32, #tpu.memory_space<vmem>>, vector<1x16xi32>,
      %scan3A_273 = arith.constant 2 : i32
      %scan3A_274 = arith.addi %scan3A_12, %scan3A_273 : i32
      %mul3A_275 = arith.constant 1 : i32
      %mul3A_276 = arith.muli %scan3A_274, %mul3A_275 : i32
      %add3A_277 = arith.constant 0 : i32
      %add3A_278 = arith.addi %add3A_277, %mul3A_276 : i32
      %get3A_279 = arith.index_cast %add3A_278 : i32 to index
      %get3A_280 = arith.constant 0 : index
      %get3A_281 = tpu.vector_load %arg4[%get3A_279, %get3A_280] {strides = array<i32>} : memref<512x128xf32, #tpu.memory_space<vmem>>, vector<1x16xf32>,
      %get3A_282 = vector.shape_cast %get3A_281 : vector<1x16xf32> to vector<16xf32>
      %bitcast_convert_type3A_283 = tpu.bitcast %get3A_282 : vector<16xf32> -> vector<16xi32>
      %add3A_284 = arith.addi %bitcast_convert_type3A_283, %broadcast_in_dim3A_5 : vector<16xi32>
      %shift_right_logical3A_285 = arith.constant 16 : i32
      %shift_right_logical3A_286 = vector.broadcast %shift_right_logical3A_285 : i32 to vector<16xi32>
      %shift_right_logical3A_287 = arith.shrui %bitcast_convert_type3A_283, %shift_right_logical3A_286 : vector<16xi32>
      %and3A_288 = arith.andi %shift_right_logical3A_287, %broadcast_in_dim3A_3 : vector<16xi32>
      %add3A_289 = arith.addi %add3A_284, %and3A_288 : vector<16xi32>
      %get3A_290 = arith.index_cast %add3A_278 : i32 to index
      %get3A_291 = arith.constant 64 : index
      %get3A_292 = tpu.vector_load %arg4[%get3A_290, %get3A_291] {strides = array<i32>} : memref<512x128xf32, #tpu.memory_space<vmem>>, vector<1x16xf32>,
      %get3A_293 = vector.shape_cast %get3A_292 : vector<1x16xf32> to vector<16xf32>
      %bitcast_convert_type3A_294 = tpu.bitcast %get3A_293 : vector<16xf32> -> vector<16xi32>
      %add3A_295 = arith.addi %bitcast_convert_type3A_294, %broadcast_in_dim3A_5 : vector<16xi32>
      %shift_right_logical3A_296 = arith.constant 16 : i32
      %shift_right_logical3A_297 = vector.broadcast %shift_right_logical3A_296 : i32 to vector<16xi32>
      %shift_right_logical3A_298 = arith.shrui %bitcast_convert_type3A_294, %shift_right_logical3A_297 : vector<16xi32>
      %and3A_299 = arith.andi %shift_right_logical3A_298, %broadcast_in_dim3A_3 : vector<16xi32>
      %add3A_300 = arith.addi %add3A_295, %and3A_299 : vector<16xi32>
      %shift_right_logical3A_301 = arith.constant 16 : i32
      %shift_right_logical3A_302 = vector.broadcast %shift_right_logical3A_301 : i32 to vector<16xi32>
      %shift_right_logical3A_303 = arith.shrui %add3A_289, %shift_right_logical3A_302 : vector<16xi32>
      %and3A_304 = arith.andi %add3A_300, %broadcast_in_dim3A_7 : vector<16xi32>
      %or3A_305 = arith.ori %shift_right_logical3A_303, %and3A_304 : vector<16xi32>
      %swap3A_306 = arith.index_cast %add3A_278 : i32 to index
      %swap3A_307 = arith.constant 0 : index
      %swap3A_308 = tpu.vector_load %arg5[%swap3A_306, %swap3A_307] {strides = array<i32>} : memref<512x64xi32, #tpu.memory_space<vmem>>, vector<1x16xi32>,
      %swap3A_309 = vector.shape_cast %swap3A_308 : vector<1x16xi32> to vector<16xi32>
      %swap3A_310 = vector.shape_cast %or3A_305 : vector<16xi32> to vector<1x16xi32>
      tpu.vector_store %arg5[%swap3A_306, %swap3A_307], %swap3A_310 {strides = array<i32>} : memref<512x64xi32, #tpu.memory_space<vmem>>, vector<1x16xi32>,
      %get3A_311 = arith.index_cast %add3A_278 : i32 to index
      %get3A_312 = arith.constant 16 : index
      %get3A_313 = tpu.vector_load %arg4[%get3A_311, %get3A_312] {strides = array<i32>} : memref<512x128xf32, #tpu.memory_space<vmem>>, vector<1x16xf32>,
      %get3A_314 = vector.shape_cast %get3A_313 : vector<1x16xf32> to vector<16xf32>
      %bitcast_convert_type3A_315 = tpu.bitcast %get3A_314 : vector<16xf32> -> vector<16xi32>
      %add3A_316 = arith.addi %bitcast_convert_type3A_315, %broadcast_in_dim3A_5 : vector<16xi32>
      %shift_right_logical3A_317 = arith.constant 16 : i32
      %shift_right_logical3A_318 = vector.broadcast %shift_right_logical3A_317 : i32 to vector<16xi32>
      %shift_right_logical3A_319 = arith.shrui %bitcast_convert_type3A_315, %shift_right_logical3A_318 : vector<16xi32>
      %and3A_320 = arith.andi %shift_right_logical3A_319, %broadcast_in_dim3A_3 : vector<16xi32>
      %add3A_321 = arith.addi %add3A_316, %and3A_320 : vector<16xi32>
      %get3A_322 = arith.index_cast %add3A_278 : i32 to index
      %get3A_323 = arith.constant 80 : index
      %get3A_324 = tpu.vector_load %arg4[%get3A_322, %get3A_323] {strides = array<i32>} : memref<512x128xf32, #tpu.memory_space<vmem>>, vector<1x16xf32>,
      %get3A_325 = vector.shape_cast %get3A_324 : vector<1x16xf32> to vector<16xf32>
      %bitcast_convert_type3A_326 = tpu.bitcast %get3A_325 : vector<16xf32> -> vector<16xi32>
      %add3A_327 = arith.addi %bitcast_convert_type3A_326, %broadcast_in_dim3A_5 : vector<16xi32>
      %shift_right_logical3A_328 = arith.constant 16 : i32
      %shift_right_logical3A_329 = vector.broadcast %shift_right_logical3A_328 : i32 to vector<16xi32>
      %shift_right_logical3A_330 = arith.shrui %bitcast_convert_type3A_326, %shift_right_logical3A_329 : vector<16xi32>
      %and3A_331 = arith.andi %shift_right_logical3A_330, %broadcast_in_dim3A_3 : vector<16xi32>
      %add3A_332 = arith.addi %add3A_327, %and3A_331 : vector<16xi32>
      %shift_right_logical3A_333 = arith.constant 16 : i32
      %shift_right_logical3A_334 = vector.broadcast %shift_right_logical3A_333 : i32 to vector<16xi32>
      %shift_right_logical3A_335 = arith.shrui %add3A_321, %shift_right_logical3A_334 : vector<16xi32>
      %and3A_336 = arith.andi %add3A_332, %broadcast_in_dim3A_7 : vector<16xi32>
      %or3A_337 = arith.ori %shift_right_logical3A_335, %and3A_336 : vector<16xi32>
      %swap3A_338 = arith.index_cast %add3A_278 : i32 to index
      %swap3A_339 = arith.constant 16 : index
      %swap3A_340 = tpu.vector_load %arg5[%swap3A_338, %swap3A_339] {strides = array<i32>} : memref<512x64xi32, #tpu.memory_space<vmem>>, vector<1x16xi32>,
      %swap3A_341 = vector.shape_cast %swap3A_340 : vector<1x16xi32> to vector<16xi32>
      %swap3A_342 = vector.shape_cast %or3A_337 : vector<16xi32> to vector<1x16xi32>
      tpu.vector_store %arg5[%swap3A_338, %swap3A_339], %swap3A_342 {strides = array<i32>} : memref<512x64xi32, #tpu.memory_space<vmem>>, vector<1x16xi32>,
      %get3A_343 = arith.index_cast %add3A_278 : i32 to index
      %get3A_344 = arith.constant 32 : index
      %get3A_345 = tpu.vector_load %arg4[%get3A_343, %get3A_344] {strides = array<i32>} : memref<512x128xf32, #tpu.memory_space<vmem>>, vector<1x16xf32>,
      %get3A_346 = vector.shape_cast %get3A_345 : vector<1x16xf32> to vector<16xf32>
      %bitcast_convert_type3A_347 = tpu.bitcast %get3A_346 : vector<16xf32> -> vector<16xi32>
      %add3A_348 = arith.addi %bitcast_convert_type3A_347, %broadcast_in_dim3A_5 : vector<16xi32>
      %shift_right_logical3A_349 = arith.constant 16 : i32
      %shift_right_logical3A_350 = vector.broadcast %shift_right_logical3A_349 : i32 to vector<16xi32>
      %shift_right_logical3A_351 = arith.shrui %bitcast_convert_type3A_347, %shift_right_logical3A_350 : vector<16xi32>
      %and3A_352 = arith.andi %shift_right_logical3A_351, %broadcast_in_dim3A_3 : vector<16xi32>
      %add3A_353 = arith.addi %add3A_348, %and3A_352 : vector<16xi32>
      %get3A_354 = arith.index_cast %add3A_278 : i32 to index
      %get3A_355 = arith.constant 96 : index
      %get3A_356 = tpu.vector_load %arg4[%get3A_354, %get3A_355] {strides = array<i32>} : memref<512x128xf32, #tpu.memory_space<vmem>>, vector<1x16xf32>,
      %get3A_357 = vector.shape_cast %get3A_356 : vector<1x16xf32> to vector<16xf32>
      %bitcast_convert_type3A_358 = tpu.bitcast %get3A_357 : vector<16xf32> -> vector<16xi32>
      %add3A_359 = arith.addi %bitcast_convert_type3A_358, %broadcast_in_dim3A_5 : vector<16xi32>
      %shift_right_logical3A_360 = arith.constant 16 : i32
      %shift_right_logical3A_361 = vector.broadcast %shift_right_logical3A_360 : i32 to vector<16xi32>
      %shift_right_logical3A_362 = arith.shrui %bitcast_convert_type3A_358, %shift_right_logical3A_361 : vector<16xi32>
      %and3A_363 = arith.andi %shift_right_logical3A_362, %broadcast_in_dim3A_3 : vector<16xi32>
      %add3A_364 = arith.addi %add3A_359, %and3A_363 : vector<16xi32>
      %shift_right_logical3A_365 = arith.constant 16 : i32
      %shift_right_logical3A_366 = vector.broadcast %shift_right_logical3A_365 : i32 to vector<16xi32>
      %shift_right_logical3A_367 = arith.shrui %add3A_353, %shift_right_logical3A_366 : vector<16xi32>
      %and3A_368 = arith.andi %add3A_364, %broadcast_in_dim3A_7 : vector<16xi32>
      %or3A_369 = arith.ori %shift_right_logical3A_367, %and3A_368 : vector<16xi32>
      %swap3A_370 = arith.index_cast %add3A_278 : i32 to index
      %swap3A_371 = arith.constant 32 : index
      %swap3A_372 = tpu.vector_load %arg5[%swap3A_370, %swap3A_371] {strides = array<i32>} : memref<512x64xi32, #tpu.memory_space<vmem>>, vector<1x16xi32>,
      %swap3A_373 = vector.shape_cast %swap3A_372 : vector<1x16xi32> to vector<16xi32>
      %swap3A_374 = vector.shape_cast %or3A_369 : vector<16xi32> to vector<1x16xi32>
      tpu.vector_store %arg5[%swap3A_370, %swap3A_371], %swap3A_374 {strides = array<i32>} : memref<512x64xi32, #tpu.memory_space<vmem>>, vector<1x16xi32>,
      %get3A_375 = arith.index_cast %add3A_278 : i32 to index
      %get3A_376 = arith.constant 48 : index
      %get3A_377 = tpu.vector_load %arg4[%get3A_375, %get3A_376] {strides = array<i32>} : memref<512x128xf32, #tpu.memory_space<vmem>>, vector<1x16xf32>,
      %get3A_378 = vector.shape_cast %get3A_377 : vector<1x16xf32> to vector<16xf32>
      %bitcast_convert_type3A_379 = tpu.bitcast %get3A_378 : vector<16xf32> -> vector<16xi32>
      %add3A_380 = arith.addi %bitcast_convert_type3A_379, %broadcast_in_dim3A_5 : vector<16xi32>
      %shift_right_logical3A_381 = arith.constant 16 : i32
      %shift_right_logical3A_382 = vector.broadcast %shift_right_logical3A_381 : i32 to vector<16xi32>
      %shift_right_logical3A_383 = arith.shrui %bitcast_convert_type3A_379, %shift_right_logical3A_382 : vector<16xi32>
      %and3A_384 = arith.andi %shift_right_logical3A_383, %broadcast_in_dim3A_3 : vector<16xi32>
      %add3A_385 = arith.addi %add3A_380, %and3A_384 : vector<16xi32>
      %get3A_386 = arith.index_cast %add3A_278 : i32 to index
      %get3A_387 = arith.constant 112 : index
      %get3A_388 = tpu.vector_load %arg4[%get3A_386, %get3A_387] {strides = array<i32>} : memref<512x128xf32, #tpu.memory_space<vmem>>, vector<1x16xf32>,
      %get3A_389 = vector.shape_cast %get3A_388 : vector<1x16xf32> to vector<16xf32>
      %bitcast_convert_type3A_390 = tpu.bitcast %get3A_389 : vector<16xf32> -> vector<16xi32>
      %add3A_391 = arith.addi %bitcast_convert_type3A_390, %broadcast_in_dim3A_5 : vector<16xi32>
      %shift_right_logical3A_392 = arith.constant 16 : i32
      %shift_right_logical3A_393 = vector.broadcast %shift_right_logical3A_392 : i32 to vector<16xi32>
      %shift_right_logical3A_394 = arith.shrui %bitcast_convert_type3A_390, %shift_right_logical3A_393 : vector<16xi32>
      %and3A_395 = arith.andi %shift_right_logical3A_394, %broadcast_in_dim3A_3 : vector<16xi32>
      %add3A_396 = arith.addi %add3A_391, %and3A_395 : vector<16xi32>
      %shift_right_logical3A_397 = arith.constant 16 : i32
      %shift_right_logical3A_398 = vector.broadcast %shift_right_logical3A_397 : i32 to vector<16xi32>
      %shift_right_logical3A_399 = arith.shrui %add3A_385, %shift_right_logical3A_398 : vector<16xi32>
      %and3A_400 = arith.andi %add3A_396, %broadcast_in_dim3A_7 : vector<16xi32>
      %or3A_401 = arith.ori %shift_right_logical3A_399, %and3A_400 : vector<16xi32>
      %swap3A_402 = arith.index_cast %add3A_278 : i32 to index
      %swap3A_403 = arith.constant 48 : index
      %swap3A_404 = tpu.vector_load %arg5[%swap3A_402, %swap3A_403] {strides = array<i32>} : memref<512x64xi32, #tpu.memory_space<vmem>>, vector<1x16xi32>,
      %swap3A_405 = vector.shape_cast %swap3A_404 : vector<1x16xi32> to vector<16xi32>
      %swap3A_406 = vector.shape_cast %or3A_401 : vector<16xi32> to vector<1x16xi32>
      tpu.vector_store %arg5[%swap3A_402, %swap3A_403], %swap3A_406 {strides = array<i32>} : memref<512x64xi32, #tpu.memory_space<vmem>>, vector<1x16xi32>,
      %scan3A_407 = arith.constant 3 : i32
      %scan3A_408 = arith.addi %scan3A_12, %scan3A_407 : i32
      %mul3A_409 = arith.constant 1 : i32
      %mul3A_410 = arith.muli %scan3A_408, %mul3A_409 : i32
      %add3A_411 = arith.constant 0 : i32
      %add3A_412 = arith.addi %add3A_411, %mul3A_410 : i32
      %get3A_413 = arith.index_cast %add3A_412 : i32 to index
      %get3A_414 = arith.constant 0 : index
      %get3A_415 = tpu.vector_load %arg4[%get3A_413, %get3A_414] {strides = array<i32>} : memref<512x128xf32, #tpu.memory_space<vmem>>, vector<1x16xf32>,
      %get3A_416 = vector.shape_cast %get3A_415 : vector<1x16xf32> to vector<16xf32>
      %bitcast_convert_type3A_417 = tpu.bitcast %get3A_416 : vector<16xf32> -> vector<16xi32>
      %add3A_418 = arith.addi %bitcast_convert_type3A_417, %broadcast_in_dim3A_5 : vector<16xi32>
      %shift_right_logical3A_419 = arith.constant 16 : i32
      %shift_right_logical3A_420 = vector.broadcast %shift_right_logical3A_419 : i32 to vector<16xi32>
      %shift_right_logical3A_421 = arith.shrui %bitcast_convert_type3A_417, %shift_right_logical3A_420 : vector<16xi32>
      %and3A_422 = arith.andi %shift_right_logical3A_421, %broadcast_in_dim3A_3 : vector<16xi32>
      %add3A_423 = arith.addi %add3A_418, %and3A_422 : vector<16xi32>
      %get3A_424 = arith.index_cast %add3A_412 : i32 to index
      %get3A_425 = arith.constant 64 : index
      %get3A_426 = tpu.vector_load %arg4[%get3A_424, %get3A_425] {strides = array<i32>} : memref<512x128xf32, #tpu.memory_space<vmem>>, vector<1x16xf32>,
      %get3A_427 = vector.shape_cast %get3A_426 : vector<1x16xf32> to vector<16xf32>
      %bitcast_convert_type3A_428 = tpu.bitcast %get3A_427 : vector<16xf32> -> vector<16xi32>
      %add3A_429 = arith.addi %bitcast_convert_type3A_428, %broadcast_in_dim3A_5 : vector<16xi32>
      %shift_right_logical3A_430 = arith.constant 16 : i32
      %shift_right_logical3A_431 = vector.broadcast %shift_right_logical3A_430 : i32 to vector<16xi32>
      %shift_right_logical3A_432 = arith.shrui %bitcast_convert_type3A_428, %shift_right_logical3A_431 : vector<16xi32>
      %and3A_433 = arith.andi %shift_right_logical3A_432, %broadcast_in_dim3A_3 : vector<16xi32>
      %add3A_434 = arith.addi %add3A_429, %and3A_433 : vector<16xi32>
      %shift_right_logical3A_435 = arith.constant 16 : i32
      %shift_right_logical3A_436 = vector.broadcast %shift_right_logical3A_435 : i32 to vector<16xi32>
      %shift_right_logical3A_437 = arith.shrui %add3A_423, %shift_right_logical3A_436 : vector<16xi32>
      %and3A_438 = arith.andi %add3A_434, %broadcast_in_dim3A_7 : vector<16xi32>
      %or3A_439 = arith.ori %shift_right_logical3A_437, %and3A_438 : vector<16xi32>
      %swap3A_440 = arith.index_cast %add3A_412 : i32 to index
      %swap3A_441 = arith.constant 0 : index
      %swap3A_442 = tpu.vector_load %arg5[%swap3A_440, %swap3A_441] {strides = array<i32>} : memref<512x64xi32, #tpu.memory_space<vmem>>, vector<1x16xi32>,
      %swap3A_443 = vector.shape_cast %swap3A_442 : vector<1x16xi32> to vector<16xi32>
      %swap3A_444 = vector.shape_cast %or3A_439 : vector<16xi32> to vector<1x16xi32>
      tpu.vector_store %arg5[%swap3A_440, %swap3A_441], %swap3A_444 {strides = array<i32>} : memref<512x64xi32, #tpu.memory_space<vmem>>, vector<1x16xi32>,
      %get3A_445 = arith.index_cast %add3A_412 : i32 to index
      %get3A_446 = arith.constant 16 : index
      %get3A_447 = tpu.vector_load %arg4[%get3A_445, %get3A_446] {strides = array<i32>} : memref<512x128xf32, #tpu.memory_space<vmem>>, vector<1x16xf32>,
      %get3A_448 = vector.shape_cast %get3A_447 : vector<1x16xf32> to vector<16xf32>
      %bitcast_convert_type3A_449 = tpu.bitcast %get3A_448 : vector<16xf32> -> vector<16xi32>
      %add3A_450 = arith.addi %bitcast_convert_type3A_449, %broadcast_in_dim3A_5 : vector<16xi32>
      %shift_right_logical3A_451 = arith.constant 16 : i32
      %shift_right_logical3A_452 = vector.broadcast %shift_right_logical3A_451 : i32 to vector<16xi32>
      %shift_right_logical3A_453 = arith.shrui %bitcast_convert_type3A_449, %shift_right_logical3A_452 : vector<16xi32>
      %and3A_454 = arith.andi %shift_right_logical3A_453, %broadcast_in_dim3A_3 : vector<16xi32>
      %add3A_455 = arith.addi %add3A_450, %and3A_454 : vector<16xi32>
      %get3A_456 = arith.index_cast %add3A_412 : i32 to index
      %get3A_457 = arith.constant 80 : index
      %get3A_458 = tpu.vector_load %arg4[%get3A_456, %get3A_457] {strides = array<i32>} : memref<512x128xf32, #tpu.memory_space<vmem>>, vector<1x16xf32>,
      %get3A_459 = vector.shape_cast %get3A_458 : vector<1x16xf32> to vector<16xf32>
      %bitcast_convert_type3A_460 = tpu.bitcast %get3A_459 : vector<16xf32> -> vector<16xi32>
      %add3A_461 = arith.addi %bitcast_convert_type3A_460, %broadcast_in_dim3A_5 : vector<16xi32>
      %shift_right_logical3A_462 = arith.constant 16 : i32
      %shift_right_logical3A_463 = vector.broadcast %shift_right_logical3A_462 : i32 to vector<16xi32>
      %shift_right_logical3A_464 = arith.shrui %bitcast_convert_type3A_460, %shift_right_logical3A_463 : vector<16xi32>
      %and3A_465 = arith.andi %shift_right_logical3A_464, %broadcast_in_dim3A_3 : vector<16xi32>
      %add3A_466 = arith.addi %add3A_461, %and3A_465 : vector<16xi32>
      %shift_right_logical3A_467 = arith.constant 16 : i32
      %shift_right_logical3A_468 = vector.broadcast %shift_right_logical3A_467 : i32 to vector<16xi32>
      %shift_right_logical3A_469 = arith.shrui %add3A_455, %shift_right_logical3A_468 : vector<16xi32>
      %and3A_470 = arith.andi %add3A_466, %broadcast_in_dim3A_7 : vector<16xi32>
      %or3A_471 = arith.ori %shift_right_logical3A_469, %and3A_470 : vector<16xi32>
      %swap3A_472 = arith.index_cast %add3A_412 : i32 to index
      %swap3A_473 = arith.constant 16 : index
      %swap3A_474 = tpu.vector_load %arg5[%swap3A_472, %swap3A_473] {strides = array<i32>} : memref<512x64xi32, #tpu.memory_space<vmem>>, vector<1x16xi32>,
      %swap3A_475 = vector.shape_cast %swap3A_474 : vector<1x16xi32> to vector<16xi32>
      %swap3A_476 = vector.shape_cast %or3A_471 : vector<16xi32> to vector<1x16xi32>
      tpu.vector_store %arg5[%swap3A_472, %swap3A_473], %swap3A_476 {strides = array<i32>} : memref<512x64xi32, #tpu.memory_space<vmem>>, vector<1x16xi32>,
      %get3A_477 = arith.index_cast %add3A_412 : i32 to index
      %get3A_478 = arith.constant 32 : index
      %get3A_479 = tpu.vector_load %arg4[%get3A_477, %get3A_478] {strides = array<i32>} : memref<512x128xf32, #tpu.memory_space<vmem>>, vector<1x16xf32>,
      %get3A_480 = vector.shape_cast %get3A_479 : vector<1x16xf32> to vector<16xf32>
      %bitcast_convert_type3A_481 = tpu.bitcast %get3A_480 : vector<16xf32> -> vector<16xi32>
      %add3A_482 = arith.addi %bitcast_convert_type3A_481, %broadcast_in_dim3A_5 : vector<16xi32>
      %shift_right_logical3A_483 = arith.constant 16 : i32
      %shift_right_logical3A_484 = vector.broadcast %shift_right_logical3A_483 : i32 to vector<16xi32>
      %shift_right_logical3A_485 = arith.shrui %bitcast_convert_type3A_481, %shift_right_logical3A_484 : vector<16xi32>
      %and3A_486 = arith.andi %shift_right_logical3A_485, %broadcast_in_dim3A_3 : vector<16xi32>
      %add3A_487 = arith.addi %add3A_482, %and3A_486 : vector<16xi32>
      %get3A_488 = arith.index_cast %add3A_412 : i32 to index
      %get3A_489 = arith.constant 96 : index
      %get3A_490 = tpu.vector_load %arg4[%get3A_488, %get3A_489] {strides = array<i32>} : memref<512x128xf32, #tpu.memory_space<vmem>>, vector<1x16xf32>,
      %get3A_491 = vector.shape_cast %get3A_490 : vector<1x16xf32> to vector<16xf32>
      %bitcast_convert_type3A_492 = tpu.bitcast %get3A_491 : vector<16xf32> -> vector<16xi32>
      %add3A_493 = arith.addi %bitcast_convert_type3A_492, %broadcast_in_dim3A_5 : vector<16xi32>
      %shift_right_logical3A_494 = arith.constant 16 : i32
      %shift_right_logical3A_495 = vector.broadcast %shift_right_logical3A_494 : i32 to vector<16xi32>
      %shift_right_logical3A_496 = arith.shrui %bitcast_convert_type3A_492, %shift_right_logical3A_495 : vector<16xi32>
      %and3A_497 = arith.andi %shift_right_logical3A_496, %broadcast_in_dim3A_3 : vector<16xi32>
      %add3A_498 = arith.addi %add3A_493, %and3A_497 : vector<16xi32>
      %shift_right_logical3A_499 = arith.constant 16 : i32
      %shift_right_logical3A_500 = vector.broadcast %shift_right_logical3A_499 : i32 to vector<16xi32>
      %shift_right_logical3A_501 = arith.shrui %add3A_487, %shift_right_logical3A_500 : vector<16xi32>
      %and3A_502 = arith.andi %add3A_498, %broadcast_in_dim3A_7 : vector<16xi32>
      %or3A_503 = arith.ori %shift_right_logical3A_501, %and3A_502 : vector<16xi32>
      %swap3A_504 = arith.index_cast %add3A_412 : i32 to index
      %swap3A_505 = arith.constant 32 : index
      %swap3A_506 = tpu.vector_load %arg5[%swap3A_504, %swap3A_505] {strides = array<i32>} : memref<512x64xi32, #tpu.memory_space<vmem>>, vector<1x16xi32>,
      %swap3A_507 = vector.shape_cast %swap3A_506 : vector<1x16xi32> to vector<16xi32>
      %swap3A_508 = vector.shape_cast %or3A_503 : vector<16xi32> to vector<1x16xi32>
      tpu.vector_store %arg5[%swap3A_504, %swap3A_505], %swap3A_508 {strides = array<i32>} : memref<512x64xi32, #tpu.memory_space<vmem>>, vector<1x16xi32>,
      %get3A_509 = arith.index_cast %add3A_412 : i32 to index
      %get3A_510 = arith.constant 48 : index
      %get3A_511 = tpu.vector_load %arg4[%get3A_509, %get3A_510] {strides = array<i32>} : memref<512x128xf32, #tpu.memory_space<vmem>>, vector<1x16xf32>,
      %get3A_512 = vector.shape_cast %get3A_511 : vector<1x16xf32> to vector<16xf32>
      %bitcast_convert_type3A_513 = tpu.bitcast %get3A_512 : vector<16xf32> -> vector<16xi32>
      %add3A_514 = arith.addi %bitcast_convert_type3A_513, %broadcast_in_dim3A_5 : vector<16xi32>
      %shift_right_logical3A_515 = arith.constant 16 : i32
      %shift_right_logical3A_516 = vector.broadcast %shift_right_logical3A_515 : i32 to vector<16xi32>
      %shift_right_logical3A_517 = arith.shrui %bitcast_convert_type3A_513, %shift_right_logical3A_516 : vector<16xi32>
      %and3A_518 = arith.andi %shift_right_logical3A_517, %broadcast_in_dim3A_3 : vector<16xi32>
      %add3A_519 = arith.addi %add3A_514, %and3A_518 : vector<16xi32>
      %get3A_520 = arith.index_cast %add3A_412 : i32 to index
      %get3A_521 = arith.constant 112 : index
      %get3A_522 = tpu.vector_load %arg4[%get3A_520, %get3A_521] {strides = array<i32>} : memref<512x128xf32, #tpu.memory_space<vmem>>, vector<1x16xf32>,
      %get3A_523 = vector.shape_cast %get3A_522 : vector<1x16xf32> to vector<16xf32>
      %bitcast_convert_type3A_524 = tpu.bitcast %get3A_523 : vector<16xf32> -> vector<16xi32>
      %add3A_525 = arith.addi %bitcast_convert_type3A_524, %broadcast_in_dim3A_5 : vector<16xi32>
      %shift_right_logical3A_526 = arith.constant 16 : i32
      %shift_right_logical3A_527 = vector.broadcast %shift_right_logical3A_526 : i32 to vector<16xi32>
      %shift_right_logical3A_528 = arith.shrui %bitcast_convert_type3A_524, %shift_right_logical3A_527 : vector<16xi32>
      %and3A_529 = arith.andi %shift_right_logical3A_528, %broadcast_in_dim3A_3 : vector<16xi32>
      %add3A_530 = arith.addi %add3A_525, %and3A_529 : vector<16xi32>
      %shift_right_logical3A_531 = arith.constant 16 : i32
      %shift_right_logical3A_532 = vector.broadcast %shift_right_logical3A_531 : i32 to vector<16xi32>
      %shift_right_logical3A_533 = arith.shrui %add3A_519, %shift_right_logical3A_532 : vector<16xi32>
      %and3A_534 = arith.andi %add3A_530, %broadcast_in_dim3A_7 : vector<16xi32>
      %or3A_535 = arith.ori %shift_right_logical3A_533, %and3A_534 : vector<16xi32>
      %swap3A_536 = arith.index_cast %add3A_412 : i32 to index
      %swap3A_537 = arith.constant 48 : index
      %swap3A_538 = tpu.vector_load %arg5[%swap3A_536, %swap3A_537] {strides = array<i32>} : memref<512x64xi32, #tpu.memory_space<vmem>>, vector<1x16xi32>,
      %swap3A_539 = vector.shape_cast %swap3A_538 : vector<1x16xi32> to vector<16xi32>
      %swap3A_540 = vector.shape_cast %or3A_535 : vector<16xi32> to vector<1x16xi32>
      tpu.vector_store %arg5[%swap3A_536, %swap3A_537], %swap3A_540 {strides = array<i32>} : memref<512x64xi32, #tpu.memory_space<vmem>>, vector<1x16xi32>,
    }
    %scan3A_11 = arith.constant 512 : i32
    "tpu.region"() ({
      %run_scoped3A = tpu.sem_alloc : memref<!tpu.dma_semaphore, #tpu.memory_space<semaphore_mem>>
      %dma_start3A = arith.constant 0 : i32
      %dma_start3A_12 = tpu.memref_slice %arg3[%mul3A_2, %dma_start3A] : memref<16384x64xi32, #tpu.memory_space<hbm>> -> memref<512x64xi32, #tpu.memory_space<hbm>>
      %dma_start3A_13 = arith.constant 0 : i32
      %dma_start3A_14 = tpu.memref_slice %arg3[%mul3A_2, %dma_start3A_13] : memref<16384x64xi32, #tpu.memory_space<hbm>> -> memref<512x64xi32, #tpu.memory_space<hbm>>
      tpu.enqueue_dma source(%arg5 : memref<512x64xi32, #tpu.memory_space<vmem>>) target(%dma_start3A_14 : memref<512x64xi32, #tpu.memory_space<hbm>>) target_semaphore(%run_scoped3A : memref<!tpu.dma_semaphore, #tpu.memory_space<semaphore_mem>>)
      %dma_wait3A = arith.constant 0 : i32
      %dma_wait3A_15 = tpu.memref_slice %arg3[%mul3A_2, %dma_wait3A] : memref<16384x64xi32, #tpu.memory_space<hbm>> -> memref<512x64xi32, #tpu.memory_space<hbm>>
      %dma_wait3A_16 = arith.constant 0 : i32
      %dma_wait3A_17 = tpu.memref_slice %arg3[%mul3A_2, %dma_wait3A_16] : memref<16384x64xi32, #tpu.memory_space<hbm>> -> memref<512x64xi32, #tpu.memory_space<hbm>>
      tpu.wait_dma2 semaphore(%run_scoped3A : memref<!tpu.dma_semaphore, #tpu.memory_space<semaphore_mem>>) src(%arg5 : memref<512x64xi32, #tpu.memory_space<vmem>>) dst(%dma_wait3A_17 : memref<512x64xi32, #tpu.memory_space<hbm>>)
      tpu.yield
    }) : () -> ()
    return
  }
}

</mosaic_0001>

<sc_bundles>
// kernel: _pack_bf16.3.cloned.1.call-start
scs
__scs_entry_jumppad:
0x0: {  	(pc) =	sbr.rel $0x88, $3  }
0x1: {  	(tag) =	ssettag $0x0;
	lr =	simm.s32 $0x1  }
0x2: {  	[smem:$0x3FA0] =	sst lr;
	_ =	strace $0xD0000000  }
0x3: {  	_ = 	snop  }
0x4: {  	_ = 	snop  }
0x5: {  	_ = 	snop  }
0x6: {  	_ = 	snop  }
0x7: {  	_ = 	snop  }
__scs_overlays_trampoline_lowered:
0x8: {  	[smem:$0x3FAF] =	sst s0  }
0x9: {  	[smem:$0x3FB0] =	sst s1  }
0xa: {  	[smem:$0x3FB1] =	sst s2  }
0xb: {  	[smem:$0x3FB2] =	sst s3  }
0xc: {  	[smem:$0x3FB3] =	sst s4  }
0xd: {  	[smem:$0x3FB4] =	sst s5  }
0xe: {  	[smem:$0x3FB5] =	sst s6  }
0xf: {  	[smem:$0x3FB6] =	sst s7  }
0x10: {  	[smem:$0x3FB7] =	sst s8  }
0x11: {  	[smem:$0x3FB8] =	sst s9;
	s0 =	simm.s32 @!p0 $0x0  }
0x12: {  	s1 =	sld [smem:$0x3F9E];
	s0 =	simm.s32 @p0 $0x1  }
0x13: {  	[smem:$0x3FB9] =	sst s0;
	s0 =	simm.s32 @!p1 $0x0  }
0x14: {  	s2 =	sld [smem:$0x3F9D];
	s0 =	simm.s32 @p1 $0x1  }
0x15: {  	[smem:$0x3FBA] =	sst s0;
	s0 =	simm.s32 @!p2 $0x0  }
0x16: {  	s3 =	sld [smem:$0x3FDB];
	s0 =	simm.s32 @p2 $0x1  }
0x17: {  	s4 =	simm.s32 $0x1BF5;
	[smem:$0x3FBC] =	sst s0  }
0x18: {  	s0 =	sld [smem:$0x3F9F];
	_ =	swait.ge [sflag:s4], $0x0  }
0x19: {  	s7 =	sld [smem:$0x3FA0]  }
0x1a: {  	s8 =	sadd.s32 $0xFFFFE003, lr  }
0x1b: {  	s9 =	sadd.s32 $0xFFFFFEF7, lr;
	s5 =	simm.s32 $0xFFFFFFFF;
	p2 =	slt.u32 s8, $0xFFFFF086  }
0x1c: {  	p1 =	slt.u32 s9, $0xF7A;
	s5 =	simm.s32 @!p2 $0x0  }
0x1d: {  	s5 =	simm.s32 @p1 $0x1;
	p0 =	seq.s32 s7, s2  }
0x1e: {  	s7 =	smul.u32 @!p0 $0xF7A, s2;
	p2 =	seq.s32 @!p0 s5, $0x0  }
0x1f: {  	s9 =	smul.u32 $0xF7A, s1;
	s8 =	simm.s32 @!p0 $0x1BF5;
	p2 =	por !p2, p0  }
0x20: {  	[sflag:s8] =	ssyncset.s32 @!p0 $0xFFFFF086;
	s6 =	sadd.s32 @!p0 s3, s7;
	s7 =	simm.s32 @!p0 $0x108  }
0x21: {  	s3 =	sadd.s32 s3, s9;
	s6 =	sadd.s32 @!p0 $0x88, s6;
	s7 =	simm.s32 @p2 $0x1082  }
0x22: {  	[simem:s7], [sflag:s8] =	dma.local @!p0 [hbm:s6], $0xF7A  }
0x23: {  	s9 =	sor.u32 $0xD0000000, s2;
	s6 =	simm.s32 $0x108;
	_ =	swait.ge @!p0 [sflag:s8], $0x0  }
0x24: {  	s3 =	sadd.s32 $0x88, s3;
	s6 =	simm.s32 @!p1 $0x1082;
	[sflag:s4] =	ssyncset.s32 $0xFFFFF086  }
0x25: {  	[simem:s6], [sflag:s4] =	dma.local [hbm:s3], $0xF7A  }
0x26: {  	[smem:$0x3FA0] =	sst s1;
	(tag) =	ssettag s2;
	_ =	strace s9  }
0x27: {  	s1 =	sld [smem:$0x3FB0]  }
0x28: {  	s2 =	sld [smem:$0x3FB1]  }
0x29: {  	s4 =	sld [smem:$0x3FB3]  }
0x2a: {  	p0 =	seq.s32 s5, $0x0;
	s5 =	sld [smem:$0x3FB4]  }
0x2b: {  	s6 =	sld [smem:$0x3FB5]  }
0x2c: {  	s7 =	sld [smem:$0x3FB6]  }
0x2d: {  	s3 =	simm.s32 $0x108;
	s8 =	sld [smem:$0x3FB7]  }
0x2e: {  	s3 =	simm.s32 @!p0 $0x1082;
	s9 =	sld [smem:$0x3FB8]  }
0x2f: {  	lr =	sadd.s32 s0, s3;
	s0 =	sld [smem:$0x3FAF]  }
0x30: {  	s3 =	sld [smem:$0x3FB2]  }
0x31: {  	[smem:$0x3FBB] =	sst s10  }
0x32: {  	s10 =	sld [smem:$0x3FB9];
	_ =	sdelay $0x3  }
0x33: {  	p0 =	seq.s32 s10, $0x1;
	s10 =	sld [smem:$0x3FBB];
	_ =	sdelay $0x3  }
0x34: {  	[smem:$0x3FBB] =	sst s10  }
0x35: {  	s10 =	sld [smem:$0x3FBA];
	_ =	sdelay $0x3  }
0x36: {  	p1 =	seq.s32 s10, $0x1;
	s10 =	sld [smem:$0x3FBB];
	_ =	sdelay $0x3  }
0x37: {  	[smem:$0x3FBB] =	sst s10  }
0x38: {  	s10 =	sld [smem:$0x3FBC]  }
0x39: {  	_ = 	snop;
	(pc) =	sbr.ind lr, $3  }
0x3a: {  	_ = 	snop  }
0x3b: {  	_ = 	snop  }
0x3c: {  	p2 =	seq.s32 s10, $0x1;
	s10 =	sld [smem:$0x3FBB]  }
0x3d: {  	_ =	shalt  }
0x3e: {  	_ =	shalt  }
0x3f: {  	_ =	shalt  }
0x40: {  	_ =	shalt  }
0x41: {  	_ =	shalt  }
0x42: {  	_ =	shalt  }
0x43: {  	_ =	shalt  }
0x44: {  	_ =	shalt  }
0x45: {  	_ =	shalt  }
0x46: {  	_ =	shalt  }
0x47: {  	_ =	shalt  }
0x48: {  	_ =	shalt  }
0x49: {  	_ =	shalt  }
0x4a: {  	_ =	shalt  }
0x4b: {  	_ =	shalt  }
0x4c: {  	_ =	shalt  }
0x4d: {  	_ =	shalt  }
0x4e: {  	_ =	shalt  }
0x4f: {  	_ =	shalt  }
0x50: {  	_ =	shalt  }
0x51: {  	_ =	shalt  }
0x52: {  	_ =	shalt  }
0x53: {  	_ =	shalt  }
0x54: {  	_ =	shalt  }
0x55: {  	_ =	shalt  }
0x56: {  	_ =	shalt  }
0x57: {  	_ =	shalt  }
0x58: {  	_ =	shalt  }
0x59: {  	_ =	shalt  }
0x5a: {  	_ =	shalt  }
0x5b: {  	_ =	shalt  }
0x5c: {  	_ =	shalt  }
0x5d: {  	_ =	shalt  }
0x5e: {  	_ =	shalt  }
0x5f: {  	_ =	shalt  }
0x60: {  	_ =	shalt  }
0x61: {  	_ =	shalt  }
0x62: {  	_ =	shalt  }
0x63: {  	_ =	shalt  }
0x64: {  	_ =	shalt  }
0x65: {  	_ =	shalt  }
0x66: {  	_ =	shalt  }
0x67: {  	_ =	shalt  }
0x68: {  	_ =	shalt  }
0x69: {  	_ =	shalt  }
0x6a: {  	_ =	shalt  }
0x6b: {  	_ =	shalt  }
0x6c: {  	_ =	shalt  }
0x6d: {  	_ =	shalt  }
0x6e: {  	_ =	shalt  }
0x6f: {  	_ =	shalt  }
0x70: {  	_ =	shalt  }
0x71: {  	_ =	shalt  }
0x72: {  	_ =	shalt  }
0x73: {  	_ =	shalt  }
0x74: {  	_ =	shalt  }
0x75: {  	_ =	shalt  }
0x76: {  	_ =	shalt  }
0x77: {  	_ =	shalt  }
0x78: {  	_ =	shalt  }
0x79: {  	_ =	shalt  }
0x7a: {  	_ =	shalt  }
0x7b: {  	_ =	shalt  }
0x7c: {  	_ =	shalt  }
0x7d: {  	_ =	shalt  }
0x7e: {  	_ =	shalt  }
0x7f: {  	_ =	shalt  }
0x80: {  	_ =	shalt  }
0x81: {  	_ =	shalt  }
0x82: {  	_ =	shalt  }
0x83: {  	_ =	shalt  }
0x84: {  	_ =	shalt  }
0x85: {  	_ =	shalt  }
0x86: {  	_ =	shalt  }
0x87: {  	_ =	shalt  }
.Lfunc_end0:
.L_simem_size_0:
called_computation_lowered:
.L_overlay_start_0:
0x88: {  	s2 =	sld [smem:$0x3FD9]  }
0x89: {  	s3 =	sld [smem:$0x3FFE];
	_ =	sdelay $0x1  }
0x8a: {  	s1 =	srdreg.scid  }
0x8b: {  	s0 =	sand.u32 $0x1, s1  }
0x8c: {  	s18 =	sshll.u32 s0, $0xA;
	s2 =	sadd.s32 s3, s2  }
0x8d: {  	s2 =	sadd.s32 s2, s18  }
0x8e: {  	[smem:$0x3FC7] =	sst s2  }
0x8f: {  	_ = 	snop  }
0x90: {  	s2 =	sld [smem:$0x3FC9]  }
0x91: {  	s19 =	sld [smem:$0x3FD0];
	(tm) =	ssettm $0x1  }
0x92: {  	s4 =	sld [smem:$0x3FFB];
	_ =	sdelay $0x3  }
0x93: {  	_ =	strace s4  }
0x94: {  	s4 =	sld [smem:$0x3FFC];
	_ =	sdelay $0x3  }
0x95: {  	_ =	strace s4  }
0x96: {  	s4 =	sld [smem:$0x3FFD];
	_ =	sdelay $0x3  }
0x97: {  	_ =	strace s4  }
0x98: {  	_ =	strace $0x8FFFFFFF  }
0x99: {  	s20 =	sld [smem:$0x3FDB];
	_ =	sdelay $0x1  }
0x9a: {  	s5 =	simm.s32 $_scs_section_size  }
0x9b: {  	s6 =	simm.s32 $_size__tile_overlayer_lowered;
	s7 =	simm.s32 $_tile_overlayer_lowered  }
0x9c: {  	s23 =	simm.s32 $0x1BFF;
	s22 =	sshll.u32 s7, $0x1;
	s4 =	sadd.s32 s5, s20  }
0x9d: {  	s8 =	simm.s32 $0x0;
	s21 =	sshll.u32 s6, $0x1;
	s6 =	sadd.s32 s22, s4  }
0x9e: {  	[timem:s8], [sflag:s23] =	dma.local [hbm:s6], s21  }
0x9f: {  	_ =	swait.ge [sflag:s23], s21  }
0xa0: {  	s5 =	ssub.s32 $0x0, s21;
	[sflag:s23] =	ssyncset.done $0x0  }
0xa1: {  	[sflag:s23] =	ssyncadd.s32 s5;
	_ =	sdelay $0x1  }
0xa2: {  	s24 =	simm.s32 $0x1B8B  }
0xa3: {  	_ =	swait.ge [sflag:s24], $0x1  }
0xa4: {  	[sflag:s24] =	ssyncset.done $0x0  }
0xa5: {  	s25 =	simm.s32 $0x1B8E;
	[sflag:s24] =	ssyncadd.s32 $0xFFFFFFFF  }
0xa6: {  	s26 =	simm.s32 $execute0_lowered;
	[smem:$0x3FD2] =	sst s25  }
0xa7: {  	s5 =	sshll.u32 s26, $0x1;
	_ =	strace $0x80000046;
	[dreg:$0x1] =	wrdreg $0xFFFFFFFF  }
0xa8: {  	s28 =	simm.s32 $_size_execute0_lowered;
	s4 =	sadd.s32 s4, s5;
	[dreg:$0x0] =	wrdreg $0x0  }
0xa9: {  	s5 =	sshll.u32 s28, $0x1;
	[dreg:$0x2] =	wrdreg s4  }
0xaa: {  	[dreg:$0x3] =	wrdreg s5  }
0xab: {  	[dreg:$0x4] =	wrdreg $0xC0  }
0xac: {  	_ =	task [dreg:s8], $0x5FFFF  }
0xad: {  	[dreg:$0x1] =	wrdreg $0xFFFFFFFF  }
0xae: {  	[dreg:$0x0] =	wrdreg $0x60  }
0xaf: {  	[dreg:$0x2] =	wrdreg s2  }
0xb0: {  	[dreg:$0x3] =	wrdreg s19  }
0xb1: {  	[dreg:$0x4] =	wrdreg $0x9  }
0xb2: {  	_ =	task.clear_ibuf [dreg:s8], $0x5FFFF;
	_ =	strace $0x90000046  }
0xb3: {  	s29 =	simm.s32 $0x9;
	_ =	strace $0x80000048  }
0xb4: {  	_ =	swait.ge [sflag:s29], $0x1  }
0xb5: {  	[sflag:s29] =	ssyncadd.s32 $0xFFFFFFFF  }
0xb6: {  	_ =	strace $0x90000048  }
0xb7: {  	_ =	sfence  }
0xb8: {  	s30 =	sld [smem:$0x0];
	_ =	sdelay $0x2  }
0xb9: {  	s31 =	sshll.u32 s1, $0xD;
	s1 =	sshrl.u32 s1, $0x2  }
0xba: {  	s3 =	sand.u32 $0x4000, s31;
	s1 =	sadd.s32 s1, s30  }
0xbb: {  	s0 =	sor.u32 s3, s0;
	s1 =	sshll.u32 s1, $0x11  }
0xbc: {  	s0 =	sor.u32 s1, s0  }
0xbd: {  	s0 =	sadd.s32 $0x8F2B, s0  }
0xbe: {  	[sflag:s0] =	ssyncadd.remote.s32 $0x1  }
0xbf: {  	_ =	sfence.sel $0xFFFF  }
0xc0: {  	[dreg:$0x0] =	wrdreg $0xFFFFFFFF;
	(pc) =	sbr.abs _section_cstart, $3  }
0xc1: {  	[dreg:$0x1] =	wrdreg $0xFFFFFFFF  }
0xc2: {  	_ =	task.clear_ibuf [dreg:s8], $0x2FFFF;
	_ =	strace $0x9FFFFFFF  }
0xc3: {  	(tm) =	ssettm $0x7FFFFFFF  }
tec
execute0_lowered:
.L_overlay_start_1:
0x0: {  	(tag) =	ssettag $0x1  }
0x1: {  	s3 =	rddreg [dreg:$0x0]  }
0x2: {  	s4 =	rddreg [dreg:$0x1]  }
0x3: {  	s0 =	rddreg [dreg:$0x2];
	s2 =	simm.s32 $0x0;
	s5 =	srdreg.scid  }
0x4: {  	s1 =	stileid.u32;
	[smem:$0x7FF] =	sst s2;
	s5 =	sand.u32 $0x1, s5  }
0x5: {  	s7 =	sshll.u32 s1, $0xA;
	s6 =	ssub.s32 $0x2, s5;
	s5 =	sshll.u32 s5, $0x9  }
0x6: {  	_ =	strace $0x80000047;
	s8 =	sshrl.u32 s6, $0x1;
	s5 =	sor.u32 s5, s7  }
0x7: {  	s6 =	ssub.s32 s6, s8;
	s7 =	sshll.u32 s5, $0x4;
	s5 =	sshll.u32 s5, $0x3  }
0x8: {  	s8 =	simm.s32 $0x0;
	s3 =	sadd.s32 s3, s7;
	s4 =	sadd.s32 s4, s5  }
0x9: {  	s5 =	smax.u32 s6, $0x1;
	s6 =	simm.s32 $0x1;
	s7 =	simm.s32 $0x10000  }
.LBB2_1:
0xa: {  	[tilespmem:s2], [sflag:$0x1] =	stream.linear.gather [hbm4b:s3+s2], $0x10000, $0x38;
	[tilespmem:$0x18000] =	vst v63  }
0xb: {  	_ =	swait.ge [sflag:s6], $0x10000  }
0xc: {  	[sflag:s6] =	ssyncset.done $0x0  }
0xd: {  	s9 =	simm.s32 $0x100;
	[sflag:s6] =	ssyncadd.s32 $0xFFFF0000  }
0xe: {  	v0 =	vld [tilespmem:s9+$0xFFFFFF00]  }
0xf: {  	v1 =	vld [tilespmem:s9+$0xFFFFFF40];
	_ =	sdelay $0x4  }
0x10: {  	v2 =	vshrl.u32 v0, $0x10;
	v3 =	vshrl.u32 v1, $0x10  }
0x11: {  	v2 =	vand.u32 $0x1, v2;
	v3 =	vand.u32 $0x1, v3  }
0x12: {  	v0 =	vadd.s32 v2, v0;
	v1 =	vadd.s32 v3, v1  }
0x13: {  	v0 =	vadd.s32 $0x7FFF, v0;
	v1 =	vadd.s32 $0x7FFF, v1  }
0x14: {  	v0 =	vshrl.u32 v0, $0x10;
	v1 =	vand.u32 $0xFFFF0000, v1  }
0x15: {  	s10 =	simm.s32 $0x10080;
	v0 =	vor.u32 v0, v1  }
0x16: {  	[tilespmem:s10+$0xFFFFFF80] =	vst v0  }
0x17: {  	v0 =	vld [tilespmem:s9+$0xFFFFFF10]  }
0x18: {  	v1 =	vld [tilespmem:s9+$0xFFFFFF50];
	_ =	sdelay $0x4  }
0x19: {  	v2 =	vshrl.u32 v0, $0x10;
	v3 =	vshrl.u32 v1, $0x10  }
0x1a: {  	v2 =	vand.u32 $0x1, v2;
	v3 =	vand.u32 $0x1, v3  }
0x1b: {  	v0 =	vadd.s32 v2, v0;
	v1 =	vadd.s32 v3, v1  }
0x1c: {  	v0 =	vadd.s32 $0x7FFF, v0;
	v1 =	vadd.s32 $0x7FFF, v1  }
0x1d: {  	v0 =	vshrl.u32 v0, $0x10;
	v1 =	vand.u32 $0xFFFF0000, v1  }
0x1e: {  	v0 =	vor.u32 v0, v1  }
0x1f: {  	[tilespmem:s10+$0xFFFFFF90] =	vst v0  }
0x20: {  	v0 =	vld [tilespmem:s9+$0xFFFFFF20]  }
0x21: {  	v1 =	vld [tilespmem:s9+$0xFFFFFF60];
	_ =	sdelay $0x4  }
0x22: {  	v2 =	vshrl.u32 v0, $0x10;
	v3 =	vshrl.u32 v1, $0x10  }
0x23: {  	v2 =	vand.u32 $0x1, v2;
	v3 =	vand.u32 $0x1, v3  }
0x24: {  	v0 =	vadd.s32 v2, v0;
	v1 =	vadd.s32 v3, v1  }
0x25: {  	v0 =	vadd.s32 $0x7FFF, v0;
	v1 =	vadd.s32 $0x7FFF, v1  }
0x26: {  	v0 =	vshrl.u32 v0, $0x10;
	v1 =	vand.u32 $0xFFFF0000, v1  }
0x27: {  	v0 =	vor.u32 v0, v1  }
0x28: {  	[tilespmem:s10+$0xFFFFFFA0] =	vst v0  }
0x29: {  	v0 =	vld [tilespmem:s9+$0xFFFFFF30]  }
0x2a: {  	v1 =	vld [tilespmem:s9+$0xFFFFFF70];
	_ =	sdelay $0x4  }
0x2b: {  	v2 =	vshrl.u32 v0, $0x10;
	v3 =	vshrl.u32 v1, $0x10  }
0x2c: {  	v2 =	vand.u32 $0x1, v2;
	v3 =	vand.u32 $0x1, v3  }
0x2d: {  	v0 =	vadd.s32 v2, v0;
	v1 =	vadd.s32 v3, v1  }
0x2e: {  	v0 =	vadd.s32 $0x7FFF, v0;
	v1 =	vadd.s32 $0x7FFF, v1  }
0x2f: {  	v0 =	vshrl.u32 v0, $0x10;
	v1 =	vand.u32 $0xFFFF0000, v1  }
0x30: {  	v0 =	vor.u32 v0, v1  }
0x31: {  	[tilespmem:s10+$0xFFFFFFB0] =	vst v0  }
0x32: {  	v0 =	vld [tilespmem:s9+$0xFFFFFF80]  }
0x33: {  	v1 =	vld [tilespmem:s9+$0xFFFFFFC0];
	_ =	sdelay $0x4  }
0x34: {  	v2 =	vshrl.u32 v0, $0x10;
	v3 =	vshrl.u32 v1, $0x10  }
0x35: {  	v2 =	vand.u32 $0x1, v2;
	v3 =	vand.u32 $0x1, v3  }
0x36: {  	v0 =	vadd.s32 v2, v0;
	v1 =	vadd.s32 v3, v1  }
0x37: {  	v0 =	vadd.s32 $0x7FFF, v0;
	v1 =	vadd.s32 $0x7FFF, v1  }
0x38: {  	v0 =	vshrl.u32 v0, $0x10;
	v1 =	vand.u32 $0xFFFF0000, v1  }
0x39: {  	v0 =	vor.u32 v0, v1  }
0x3a: {  	[tilespmem:s10+$0xFFFFFFC0] =	vst v0  }
0x3b: {  	v0 =	vld [tilespmem:s9+$0xFFFFFF90]  }
0x3c: {  	v1 =	vld [tilespmem:s9+$0xFFFFFFD0];
	_ =	sdelay $0x4  }
0x3d: {  	v2 =	vshrl.u32 v0, $0x10;
	v3 =	vshrl.u32 v1, $0x10  }
0x3e: {  	v2 =	vand.u32 $0x1, v2;
	v3 =	vand.u32 $0x1, v3  }
0x3f: {  	v0 =	vadd.s32 v2, v0;
	v1 =	vadd.s32 v3, v1  }
0x40: {  	v0 =	vadd.s32 $0x7FFF, v0;
	v1 =	vadd.s32 $0x7FFF, v1  }
0x41: {  	v0 =	vshrl.u32 v0, $0x10;
	v1 =	vand.u32 $0xFFFF0000, v1  }
0x42: {  	v0 =	vor.u32 v0, v1  }
0x43: {  	[tilespmem:s10+$0xFFFFFFD0] =	vst v0  }
0x44: {  	v0 =	vld [tilespmem:s9+$0xFFFFFFA0]  }
0x45: {  	v1 =	vld [tilespmem:s9+$0xFFFFFFE0];
	_ =	sdelay $0x4  }
0x46: {  	v2 =	vshrl.u32 v0, $0x10;
	v3 =	vshrl.u32 v1, $0x10  }
0x47: {  	v2 =	vand.u32 $0x1, v2;
	v3 =	vand.u32 $0x1, v3  }
0x48: {  	v0 =	vadd.s32 v2, v0;
	v1 =	vadd.s32 v3, v1  }
0x49: {  	v0 =	vadd.s32 $0x7FFF, v0;
	v1 =	vadd.s32 $0x7FFF, v1  }
0x4a: {  	v0 =	vshrl.u32 v0, $0x10;
	v1 =	vand.u32 $0xFFFF0000, v1  }
0x4b: {  	v0 =	vor.u32 v0, v1  }
0x4c: {  	[tilespmem:s10+$0xFFFFFFE0] =	vst v0  }
0x4d: {  	v0 =	vld [tilespmem:s9+$0xFFFFFFB0]  }
0x4e: {  	v1 =	vld [tilespmem:s9+$0xFFFFFFF0];
	_ =	sdelay $0x4  }
0x4f: {  	v2 =	vshrl.u32 v0, $0x10;
	v3 =	vshrl.u32 v1, $0x10  }
0x50: {  	v2 =	vand.u32 $0x1, v2;
	v3 =	vand.u32 $0x1, v3  }
0x51: {  	v0 =	vadd.s32 v2, v0;
	v1 =	vadd.s32 v3, v1  }
0x52: {  	v0 =	vadd.s32 $0x7FFF, v0;
	v1 =	vadd.s32 $0x7FFF, v1  }
0x53: {  	v0 =	vshrl.u32 v0, $0x10;
	v1 =	vand.u32 $0xFFFF0000, v1  }
0x54: {  	v0 =	vor.u32 v0, v1  }
0x55: {  	[tilespmem:s10+$0xFFFFFFF0] =	vst v0  }
0x56: {  	v0 =	vld [tilespmem:s9+$0x0]  }
0x57: {  	v1 =	vld [tilespmem:s9+$0x40];
	_ =	sdelay $0x4  }
0x58: {  	v2 =	vshrl.u32 v0, $0x10;
	v3 =	vshrl.u32 v1, $0x10  }
0x59: {  	v2 =	vand.u32 $0x1, v2;
	v3 =	vand.u32 $0x1, v3  }
0x5a: {  	v0 =	vadd.s32 v2, v0;
	v1 =	vadd.s32 v3, v1  }
0x5b: {  	v0 =	vadd.s32 $0x7FFF, v0;
	v1 =	vadd.s32 $0x7FFF, v1  }
0x5c: {  	v0 =	vshrl.u32 v0, $0x10;
	v1 =	vand.u32 $0xFFFF0000, v1  }
0x5d: {  	v0 =	vor.u32 v0, v1  }
0x5e: {  	[tilespmem:s10+$0x0] =	vst v0  }
0x5f: {  	v0 =	vld [tilespmem:s9+$0x10]  }
0x60: {  	v1 =	vld [tilespmem:s9+$0x50];
	_ =	sdelay $0x4  }
0x61: {  	v2 =	vshrl.u32 v0, $0x10;
	v3 =	vshrl.u32 v1, $0x10  }
0x62: {  	v2 =	vand.u32 $0x1, v2;
	v3 =	vand.u32 $0x1, v3  }
0x63: {  	v0 =	vadd.s32 v2, v0;
	v1 =	vadd.s32 v3, v1  }
0x64: {  	v0 =	vadd.s32 $0x7FFF, v0;
	v1 =	vadd.s32 $0x7FFF, v1  }
0x65: {  	v0 =	vshrl.u32 v0, $0x10;
	v1 =	vand.u32 $0xFFFF0000, v1  }
0x66: {  	v0 =	vor.u32 v0, v1  }
0x67: {  	[tilespmem:s10+$0x10] =	vst v0  }
0x68: {  	v0 =	vld [tilespmem:s9+$0x20]  }
0x69: {  	v1 =	vld [tilespmem:s9+$0x60];
	_ =	sdelay $0x4  }
0x6a: {  	v2 =	vshrl.u32 v0, $0x10;
	v3 =	vshrl.u32 v1, $0x10  }
0x6b: {  	v2 =	vand.u32 $0x1, v2;
	v3 =	vand.u32 $0x1, v3  }
0x6c: {  	v0 =	vadd.s32 v2, v0;
	v1 =	vadd.s32 v3, v1  }
0x6d: {  	v0 =	vadd.s32 $0x7FFF, v0;
	v1 =	vadd.s32 $0x7FFF, v1  }
0x6e: {  	v0 =	vshrl.u32 v0, $0x10;
	v1 =	vand.u32 $0xFFFF0000, v1  }
0x6f: {  	v0 =	vor.u32 v0, v1  }
0x70: {  	[tilespmem:s10+$0x20] =	vst v0  }
0x71: {  	v0 =	vld [tilespmem:s9+$0x30]  }
0x72: {  	v1 =	vld [tilespmem:s9+$0x70];
	_ =	sdelay $0x4  }
0x73: {  	v2 =	vshrl.u32 v0, $0x10;
	v3 =	vshrl.u32 v1, $0x10  }
0x74: {  	v2 =	vand.u32 $0x1, v2;
	v3 =	vand.u32 $0x1, v3  }
0x75: {  	v0 =	vadd.s32 v2, v0;
	v1 =	vadd.s32 v3, v1  }
0x76: {  	v0 =	vadd.s32 $0x7FFF, v0;
	v1 =	vadd.s32 $0x7FFF, v1  }
0x77: {  	v0 =	vshrl.u32 v0, $0x10;
	v1 =	vand.u32 $0xFFFF0000, v1  }
0x78: {  	v0 =	vor.u32 v0, v1  }
0x79: {  	[tilespmem:s10+$0x30] =	vst v0  }
0x7a: {  	v0 =	vld [tilespmem:s9+$0x80]  }
0x7b: {  	v1 =	vld [tilespmem:s9+$0xC0];
	_ =	sdelay $0x4  }
0x7c: {  	v2 =	vshrl.u32 v0, $0x10;
	v3 =	vshrl.u32 v1, $0x10  }
0x7d: {  	v2 =	vand.u32 $0x1, v2;
	v3 =	vand.u32 $0x1, v3  }
0x7e: {  	v0 =	vadd.s32 v2, v0;
	v1 =	vadd.s32 v3, v1  }
0x7f: {  	v0 =	vadd.s32 $0x7FFF, v0;
	v1 =	vadd.s32 $0x7FFF, v1  }
0x80: {  	v0 =	vshrl.u32 v0, $0x10;
	v1 =	vand.u32 $0xFFFF0000, v1  }
0x81: {  	v0 =	vor.u32 v0, v1  }
0x82: {  	[tilespmem:s10+$0x40] =	vst v0  }
0x83: {  	v0 =	vld [tilespmem:s9+$0x90]  }
0x84: {  	v1 =	vld [tilespmem:s9+$0xD0];
	_ =	sdelay $0x4  }
0x85: {  	v2 =	vshrl.u32 v0, $0x10;
	v3 =	vshrl.u32 v1, $0x10  }
0x86: {  	v2 =	vand.u32 $0x1, v2;
	v3 =	vand.u32 $0x1, v3  }
0x87: {  	v0 =	vadd.s32 v2, v0;
	v1 =	vadd.s32 v3, v1  }
0x88: {  	v0 =	vadd.s32 $0x7FFF, v0;
	v1 =	vadd.s32 $0x7FFF, v1  }
0x89: {  	v0 =	vshrl.u32 v0, $0x10;
	v1 =	vand.u32 $0xFFFF0000, v1  }
0x8a: {  	v0 =	vor.u32 v0, v1  }
0x8b: {  	[tilespmem:s10+$0x50] =	vst v0  }
0x8c: {  	v0 =	vld [tilespmem:s9+$0xA0]  }
0x8d: {  	v1 =	vld [tilespmem:s9+$0xE0];
	_ =	sdelay $0x3  }
0x8e: {  	v2 =	vshrl.u32 v0, $0x10  }
0x8f: {  	v3 =	vshrl.u32 v1, $0x10;
	v2 =	vand.u32 $0x1, v2  }
0x90: {  	v0 =	vadd.s32 v2, v0;
	v2 =	vand.u32 $0x1, v3  }
0x91: {  	v0 =	vadd.s32 $0x7FFF, v0;
	v1 =	vadd.s32 v2, v1  }
0x92: {  	s13 =	simm.s32 $0x0;
	s11 =	simm.s32 $0x10080;
	s12 =	simm.s32 $0x100;
	v1 =	vadd.s32 $0x7FFF, v1;
	v0 =	vshrl.u32 v0, $0x10  }
.LBB2_2:
0x93: {  	s13 =	sadd.s32 $0x4, s13;
	v1 =	vand.u32 $0xFFFF0000, v1;
	s9 =	sadd.s32 $0x200, s9;
	s10 =	sadd.s32 $0x100, s10  }
0x94: {  	p0 =	slt.u32 s13, $0x1FC;
	v0 =	vor.u32 v0, v1  }
0x95: {  	[tilespmem:s11+$0x60] =	vst v0  }
0x96: {  	v0 =	vld [tilespmem:s12+$0xB0]  }
0x97: {  	v1 =	vld [tilespmem:s12+$0xF0];
	s12 =	smov.u32 s9;
	_ =	sdelay $0x3  }
0x98: {  	v2 =	vshrl.u32 v0, $0x10  }
0x99: {  	v2 =	vand.u32 $0x1, v2;
	v3 =	vshrl.u32 v1, $0x10  }
0x9a: {  	v0 =	vadd.s32 v2, v0;
	v2 =	vand.u32 $0x1, v3  }
0x9b: {  	v0 =	vadd.s32 $0x7FFF, v0;
	v1 =	vadd.s32 v2, v1  }
0x9c: {  	v1 =	vadd.s32 $0x7FFF, v1;
	v0 =	vshrl.u32 v0, $0x10  }
0x9d: {  	v1 =	vand.u32 $0xFFFF0000, v1  }
0x9e: {  	v0 =	vor.u32 v0, v1  }
0x9f: {  	[tilespmem:s11+$0x70] =	vst v0;
	s11 =	smov.u32 s10  }
0xa0: {  	v0 =	vld [tilespmem:s9+$0xFFFFFF00]  }
0xa1: {  	v1 =	vld [tilespmem:s9+$0xFFFFFF40];
	_ =	sdelay $0x3  }
0xa2: {  	v2 =	vshrl.u32 v0, $0x10  }
0xa3: {  	v2 =	vand.u32 $0x1, v2;
	v3 =	vshrl.u32 v1, $0x10  }
0xa4: {  	v0 =	vadd.s32 v2, v0;
	v2 =	vand.u32 $0x1, v3  }
0xa5: {  	v0 =	vadd.s32 $0x7FFF, v0;
	v1 =	vadd.s32 v2, v1  }
0xa6: {  	v1 =	vadd.s32 $0x7FFF, v1  }
0xa7: {  	v0 =	vshrl.u32 v0, $0x10;
	v1 =	vand.u32 $0xFFFF0000, v1  }
0xa8: {  	v0 =	vor.u32 v0, v1  }
0xa9: {  	[tilespmem:s10+$0xFFFFFF80] =	vst v0  }
0xaa: {  	v0 =	vld [tilespmem:s9+$0xFFFFFF10]  }
0xab: {  	v1 =	vld [tilespmem:s9+$0xFFFFFF50];
	_ =	sdelay $0x3  }
0xac: {  	v2 =	vshrl.u32 v0, $0x10  }
0xad: {  	v2 =	vand.u32 $0x1, v2;
	v3 =	vshrl.u32 v1, $0x10  }
0xae: {  	v0 =	vadd.s32 v2, v0;
	v2 =	vand.u32 $0x1, v3  }
0xaf: {  	v0 =	vadd.s32 $0x7FFF, v0;
	v1 =	vadd.s32 v2, v1  }
0xb0: {  	v1 =	vadd.s32 $0x7FFF, v1;
	v0 =	vshrl.u32 v0, $0x10  }
0xb1: {  	v1 =	vand.u32 $0xFFFF0000, v1  }
0xb2: {  	v0 =	vor.u32 v0, v1  }
0xb3: {  	[tilespmem:s10+$0xFFFFFF90] =	vst v0  }
0xb4: {  	v0 =	vld [tilespmem:s9+$0xFFFFFF20]  }
0xb5: {  	v1 =	vld [tilespmem:s9+$0xFFFFFF60];
	_ =	sdelay $0x3  }
0xb6: {  	v2 =	vshrl.u32 v0, $0x10  }
0xb7: {  	v2 =	vand.u32 $0x1, v2;
	v3 =	vshrl.u32 v1, $0x10  }
0xb8: {  	v0 =	vadd.s32 v2, v0;
	v2 =	vand.u32 $0x1, v3  }
0xb9: {  	v0 =	vadd.s32 $0x7FFF, v0;
	v1 =	vadd.s32 v2, v1  }
0xba: {  	v1 =	vadd.s32 $0x7FFF, v1;
	v0 =	vshrl.u32 v0, $0x10  }
0xbb: {  	v1 =	vand.u32 $0xFFFF0000, v1  }
0xbc: {  	v0 =	vor.u32 v0, v1  }
0xbd: {  	[tilespmem:s10+$0xFFFFFFA0] =	vst v0  }
0xbe: {  	v0 =	vld [tilespmem:s9+$0xFFFFFF30]  }
0xbf: {  	v1 =	vld [tilespmem:s9+$0xFFFFFF70];
	_ =	sdelay $0x3  }
0xc0: {  	v2 =	vshrl.u32 v0, $0x10  }
0xc1: {  	v2 =	vand.u32 $0x1, v2;
	v3 =	vshrl.u32 v1, $0x10  }
0xc2: {  	v0 =	vadd.s32 v2, v0;
	v2 =	vand.u32 $0x1, v3  }
0xc3: {  	v0 =	vadd.s32 $0x7FFF, v0;
	v1 =	vadd.s32 v2, v1  }
0xc4: {  	v1 =	vadd.s32 $0x7FFF, v1;
	v0 =	vshrl.u32 v0, $0x10  }
0xc5: {  	v1 =	vand.u32 $0xFFFF0000, v1  }
0xc6: {  	v0 =	vor.u32 v0, v1  }
0xc7: {  	[tilespmem:s10+$0xFFFFFFB0] =	vst v0  }
0xc8: {  	v0 =	vld [tilespmem:s9+$0xFFFFFF80]  }
0xc9: {  	v1 =	vld [tilespmem:s9+$0xFFFFFFC0];
	_ =	sdelay $0x3  }
0xca: {  	v2 =	vshrl.u32 v0, $0x10  }
0xcb: {  	v2 =	vand.u32 $0x1, v2;
	v3 =	vshrl.u32 v1, $0x10  }
0xcc: {  	v0 =	vadd.s32 v2, v0;
	v2 =	vand.u32 $0x1, v3  }
0xcd: {  	v0 =	vadd.s32 $0x7FFF, v0;
	v1 =	vadd.s32 v2, v1  }
0xce: {  	v1 =	vadd.s32 $0x7FFF, v1;
	v0 =	vshrl.u32 v0, $0x10  }
0xcf: {  	v1 =	vand.u32 $0xFFFF0000, v1  }
0xd0: {  	v0 =	vor.u32 v0, v1  }
0xd1: {  	[tilespmem:s10+$0xFFFFFFC0] =	vst v0  }
0xd2: {  	v0 =	vld [tilespmem:s9+$0xFFFFFF90]  }
0xd3: {  	v1 =	vld [tilespmem:s9+$0xFFFFFFD0];
	_ =	sdelay $0x3  }
0xd4: {  	v2 =	vshrl.u32 v0, $0x10  }
0xd5: {  	v2 =	vand.u32 $0x1, v2;
	v3 =	vshrl.u32 v1, $0x10  }
0xd6: {  	v0 =	vadd.s32 v2, v0;
	v2 =	vand.u32 $0x1, v3  }
0xd7: {  	v0 =	vadd.s32 $0x7FFF, v0;
	v1 =	vadd.s32 v2, v1  }
0xd8: {  	v1 =	vadd.s32 $0x7FFF, v1;
	v0 =	vshrl.u32 v0, $0x10  }
0xd9: {  	v1 =	vand.u32 $0xFFFF0000, v1  }
0xda: {  	v0 =	vor.u32 v0, v1  }
0xdb: {  	[tilespmem:s10+$0xFFFFFFD0] =	vst v0  }
0xdc: {  	v0 =	vld [tilespmem:s9+$0xFFFFFFA0]  }
0xdd: {  	v1 =	vld [tilespmem:s9+$0xFFFFFFE0];
	_ =	sdelay $0x3  }
0xde: {  	v2 =	vshrl.u32 v0, $0x10  }
0xdf: {  	v2 =	vand.u32 $0x1, v2;
	v3 =	vshrl.u32 v1, $0x10  }
0xe0: {  	v0 =	vadd.s32 v2, v0;
	v2 =	vand.u32 $0x1, v3  }
0xe1: {  	v0 =	vadd.s32 $0x7FFF, v0;
	v1 =	vadd.s32 v2, v1  }
0xe2: {  	v1 =	vadd.s32 $0x7FFF, v1;
	v0 =	vshrl.u32 v0, $0x10  }
0xe3: {  	v1 =	vand.u32 $0xFFFF0000, v1  }
0xe4: {  	v0 =	vor.u32 v0, v1  }
0xe5: {  	[tilespmem:s10+$0xFFFFFFE0] =	vst v0  }
0xe6: {  	v0 =	vld [tilespmem:s9+$0xFFFFFFB0]  }
0xe7: {  	v1 =	vld [tilespmem:s9+$0xFFFFFFF0];
	_ =	sdelay $0x3  }
0xe8: {  	v2 =	vshrl.u32 v0, $0x10  }
0xe9: {  	v2 =	vand.u32 $0x1, v2;
	v3 =	vshrl.u32 v1, $0x10  }
0xea: {  	v0 =	vadd.s32 v2, v0;
	v2 =	vand.u32 $0x1, v3  }
0xeb: {  	v0 =	vadd.s32 $0x7FFF, v0;
	v1 =	vadd.s32 v2, v1  }
0xec: {  	v1 =	vadd.s32 $0x7FFF, v1;
	v0 =	vshrl.u32 v0, $0x10  }
0xed: {  	v1 =	vand.u32 $0xFFFF0000, v1  }
0xee: {  	v0 =	vor.u32 v0, v1  }
0xef: {  	[tilespmem:s10+$0xFFFFFFF0] =	vst v0  }
0xf0: {  	v0 =	vld [tilespmem:s9+$0x0]  }
0xf1: {  	v1 =	vld [tilespmem:s9+$0x40];
	_ =	sdelay $0x3  }
0xf2: {  	v2 =	vshrl.u32 v0, $0x10  }
0xf3: {  	v2 =	vand.u32 $0x1, v2;
	v3 =	vshrl.u32 v1, $0x10  }
0xf4: {  	v0 =	vadd.s32 v2, v0;
	v2 =	vand.u32 $0x1, v3  }
0xf5: {  	v0 =	vadd.s32 $0x7FFF, v0;
	v1 =	vadd.s32 v2, v1  }
0xf6: {  	v1 =	vadd.s32 $0x7FFF, v1;
	v0 =	vshrl.u32 v0, $0x10  }
0xf7: {  	v1 =	vand.u32 $0xFFFF0000, v1  }
0xf8: {  	v0 =	vor.u32 v0, v1  }
0xf9: {  	[tilespmem:s10+$0x0] =	vst v0  }
0xfa: {  	v0 =	vld [tilespmem:s9+$0x10]  }
0xfb: {  	v1 =	vld [tilespmem:s9+$0x50];
	_ =	sdelay $0x3  }
0xfc: {  	v2 =	vshrl.u32 v0, $0x10  }
0xfd: {  	v2 =	vand.u32 $0x1, v2;
	v3 =	vshrl.u32 v1, $0x10  }
0xfe: {  	v0 =	vadd.s32 v2, v0;
	v2 =	vand.u32 $0x1, v3  }
0xff: {  	v0 =	vadd.s32 $0x7FFF, v0;
	v1 =	vadd.s32 v2, v1  }
0x100: {  	v1 =	vadd.s32 $0x7FFF, v1;
	v0 =	vshrl.u32 v0, $0x10  }
0x101: {  	v1 =	vand.u32 $0xFFFF0000, v1  }
0x102: {  	v0 =	vor.u32 v0, v1  }
0x103: {  	[tilespmem:s10+$0x10] =	vst v0  }
0x104: {  	v0 =	vld [tilespmem:s9+$0x20]  }
0x105: {  	v1 =	vld [tilespmem:s9+$0x60];
	_ =	sdelay $0x3  }
0x106: {  	v2 =	vshrl.u32 v0, $0x10  }
0x107: {  	v2 =	vand.u32 $0x1, v2;
	v3 =	vshrl.u32 v1, $0x10  }
0x108: {  	v0 =	vadd.s32 v2, v0;
	v2 =	vand.u32 $0x1, v3  }
0x109: {  	v0 =	vadd.s32 $0x7FFF, v0;
	v1 =	vadd.s32 v2, v1  }
0x10a: {  	v1 =	vadd.s32 $0x7FFF, v1;
	v0 =	vshrl.u32 v0, $0x10  }
0x10b: {  	v1 =	vand.u32 $0xFFFF0000, v1  }
0x10c: {  	v0 =	vor.u32 v0, v1  }
0x10d: {  	[tilespmem:s10+$0x20] =	vst v0  }
0x10e: {  	v0 =	vld [tilespmem:s9+$0x30]  }
0x10f: {  	v1 =	vld [tilespmem:s9+$0x70];
	_ =	sdelay $0x3  }
0x110: {  	v2 =	vshrl.u32 v0, $0x10  }
0x111: {  	v2 =	vand.u32 $0x1, v2;
	v3 =	vshrl.u32 v1, $0x10  }
0x112: {  	v0 =	vadd.s32 v2, v0;
	v2 =	vand.u32 $0x1, v3  }
0x113: {  	v0 =	vadd.s32 $0x7FFF, v0;
	v1 =	vadd.s32 v2, v1  }
0x114: {  	v1 =	vadd.s32 $0x7FFF, v1;
	v0 =	vshrl.u32 v0, $0x10  }
0x115: {  	v1 =	vand.u32 $0xFFFF0000, v1  }
0x116: {  	v0 =	vor.u32 v0, v1  }
0x117: {  	[tilespmem:s10+$0x30] =	vst v0  }
0x118: {  	v0 =	vld [tilespmem:s9+$0x80]  }
0x119: {  	v1 =	vld [tilespmem:s9+$0xC0];
	_ =	sdelay $0x3  }
0x11a: {  	v2 =	vshrl.u32 v0, $0x10  }
0x11b: {  	v2 =	vand.u32 $0x1, v2;
	v3 =	vshrl.u32 v1, $0x10  }
0x11c: {  	v0 =	vadd.s32 v2, v0;
	v2 =	vand.u32 $0x1, v3  }
0x11d: {  	v0 =	vadd.s32 $0x7FFF, v0;
	v1 =	vadd.s32 v2, v1  }
0x11e: {  	v1 =	vadd.s32 $0x7FFF, v1;
	v0 =	vshrl.u32 v0, $0x10  }
0x11f: {  	v1 =	vand.u32 $0xFFFF0000, v1  }
0x120: {  	v0 =	vor.u32 v0, v1  }
0x121: {  	[tilespmem:s10+$0x40] =	vst v0  }
0x122: {  	v0 =	vld [tilespmem:s9+$0x90]  }
0x123: {  	v1 =	vld [tilespmem:s9+$0xD0];
	_ =	sdelay $0x3  }
0x124: {  	v2 =	vshrl.u32 v0, $0x10  }
0x125: {  	v2 =	vand.u32 $0x1, v2;
	v3 =	vshrl.u32 v1, $0x10  }
0x126: {  	v0 =	vadd.s32 v2, v0;
	v2 =	vand.u32 $0x1, v3  }
0x127: {  	v0 =	vadd.s32 $0x7FFF, v0;
	v1 =	vadd.s32 v2, v1  }
0x128: {  	v1 =	vadd.s32 $0x7FFF, v1;
	v0 =	vshrl.u32 v0, $0x10  }
0x129: {  	v1 =	vand.u32 $0xFFFF0000, v1  }
0x12a: {  	v0 =	vor.u32 v0, v1  }
0x12b: {  	[tilespmem:s10+$0x50] =	vst v0  }
0x12c: {  	v0 =	vld [tilespmem:s9+$0xA0]  }
0x12d: {  	v1 =	vld [tilespmem:s9+$0xE0];
	_ =	sdelay $0x3  }
.Ltmp0:
0x12e: {  	v2 =	vshrl.u32 v0, $0x10;
	(pc) =	sbr.rel @p0 .LBB2_2-.Ltmp0, $4  }
0x12f: {  	v2 =	vand.u32 $0x1, v2;
	v3 =	vshrl.u32 v1, $0x10  }
0x130: {  	v0 =	vadd.s32 v2, v0;
	v2 =	vand.u32 $0x1, v3  }
0x131: {  	v0 =	vadd.s32 $0x7FFF, v0;
	v1 =	vadd.s32 v2, v1  }
0x132: {  	v1 =	vadd.s32 $0x7FFF, v1;
	v0 =	vshrl.u32 v0, $0x10  }
0x133: {  	v1 =	vand.u32 $0xFFFF0000, v1  }
0x134: {  	v0 =	vor.u32 v0, v1  }
0x135: {  	[tilespmem:s11+$0x60] =	vst v0  }
0x136: {  	v0 =	vld [tilespmem:s12+$0xB0]  }
0x137: {  	v63 =	vld [tilespmem:s12+$0xF0];
	_ =	sdelay $0x4  }
0x138: {  	v2 =	vshrl.u32 v0, $0x10;
	v3 =	vshrl.u32 v63, $0x10  }
0x139: {  	v2 =	vand.u32 $0x1, v2;
	v3 =	vand.u32 $0x1, v3  }
0x13a: {  	v0 =	vadd.s32 v2, v0;
	v1 =	vadd.s32 v3, v63  }
0x13b: {  	v0 =	vadd.s32 $0x7FFF, v0;
	v1 =	vadd.s32 $0x7FFF, v1  }
0x13c: {  	s8 =	sadd.s32 $0x1, s8;
	v0 =	vshrl.u32 v0, $0x10;
	v1 =	vand.u32 $0xFFFF0000, v1  }
0x13d: {  	p0 =	sne.s32 s8, s5;
	v0 =	vor.u32 v0, v1  }
.Ltmp1:
0x13e: {  	[tilespmem:s11+$0x70] =	vst v0;
	(pc) =	sbr.rel @p0 .LBB2_1-.Ltmp1, $4  }
0x13f: {  	[hbm4b:s4+s2] =	stream.linear.scatter [tilespmem:s7], [sflag:$0x1], $0x8000, $0x38;
	[tilespmem:$0x18000] =	vst v63  }
0x140: {  	_ =	swait.ge [sflag:s6], $0x8000  }
0x141: {  	[sflag:s6] =	ssyncset.done $0x0  }
0x142: {  	[sflag:s6] =	ssyncadd.s32 $0xFFFF8000  }
0x143: {  	_ =	sfence.sel $0x180000  }
0x144: {  	[bflag:$0x0] =	sbarrier.arrive $0xFFFF  }
0x145: {  	p0 =	sne.s32 s1, $0x0;
	_ =	strace $0x90000047  }
0x146: {  	s0 =	sadd.s32 @!p0 $0x100000, s0;
	[bflag:$0x2] =	sbarrier.arrive $0xFFFF  }
0x147: {  	[sflag:s0] =	ssyncadd.tile.s32 @!p0 $0x1;
	_ =	shalt  }
.Lfunc_end2:
_tile_overlayer_lowered:
.L_overlay_start_2:
0x148: {  	(tag) =	ssettag $0x2  }
0x149: {  	s0 =	rddreg [dreg:$0x0];
	s2 =	stileid.u32  }
0x14a: {  	s1 =	rddreg [dreg:$0x1];
	p0 =	sne.s32 s2, $0x0  }
0x14b: {  	s3 =	rddreg [dreg:$0x2];
	[bflag:$0x3] =	sbarrier.arrive $0xFFFF;
	s2 =	simm.s32 @!p0 $0x1C01  }
0x14c: {  	[timem:s3], [sflag:s2] =	dma.local @!p0 [hbm:s0], s1  }
0x14d: {  	s0 =	simm.s32 @!p0 $0x1  }
0x14e: {  	_ =	swait.ge @!p0 [sflag:s0], s1  }
0x14f: {  	s1 =	ssub.s32 @!p0 $0x0, s1;
	[sflag:s0] =	ssyncset.done @!p0 $0x0  }
0x150: {  	[sflag:s0] =	ssyncadd.s32 @!p0 s1  }
0x151: {  	[bflag:$0x3] =	sbarrier.arrive $0xFFFF  }
0x152: {  	_ =	shalt  }

</sc_bundles>
